<compile_context>
chip_gen: v7x
topology: tpu7x:2x2x1
jax: 0.10.2.dev20260603
libtpu: 0.0.44.dev20260713+nightly
codegen_flags: <defaults>
</compile_context>

<pallas_src>
import functools

import jax
import jax.numpy as jnp
from jax import lax
from jax.experimental import pallas as pl
from jax.experimental.pallas import tpu as pltpu
from jax.experimental.pallas import tpu_sc as plsc

N = 10000
E = 320000
D = 128
L = 3

NC = 2
NS = 16
NW = NC * NS
K = 100
NB = E // K
NB_W = NB // NW
NP = 10240
NROW_T = NP // NS


DH = D // 2


def _sc_segment_sum(table2, srcs, dst3d, zeros):
    mesh = plsc.VectorSubcoreMesh(core_axis_name="c", subcore_axis_name="s")

    @functools.partial(
        pl.kernel,
        out_type=jax.ShapeDtypeStruct((2 * NC, NP, DH), jnp.float32),
        mesh=mesh,
        scratch_types=[
            pltpu.VMEM((2 * NB_W, K), jnp.int32),
            pltpu.VMEM((NB_W, K), jnp.int32),
            pltpu.VMEM((8 * K, DH), jnp.float32),
            pltpu.VMEM_SHARED((NP, DH), jnp.float32),
            pltpu.SemaphoreType.DMA((8,)),
        ],
        compiler_params=pltpu.CompilerParams(use_tc_tiling_on_sc=False),
    )
    def k(table_hbm, src_hbm, dst_hbm, zeros_hbm, out_hbm,
          src_v, dst_v, rows_v, acc_sh, sems):
        c = lax.axis_index("c")
        s = lax.axis_index("s")
        wid = c * NS + s

        pltpu.sync_copy(src_hbm.at[wid], src_v)
        pltpu.sync_copy(dst_hbm.at[wid], dst_v)

        def one_pass(p, carry):
            pltpu.sync_copy(zeros_hbm.at[pl.ds(s * NROW_T, NROW_T)],
                            acc_sh.at[pl.ds(s * NROW_T, NROW_T)])
            plsc.subcore_barrier()

            def body(i, carry2):
                b = lax.rem(i, 8)

                @pl.when(i >= 8)
                def _():
                    pltpu.make_async_copy(table_hbm.at[pl.ds(0, K)],
                                          rows_v.at[pl.ds(0, K)],
                                          sems.at[b]).wait()
                    pltpu.sync_copy(rows_v.at[pl.ds(b * K, K)],
                                    acc_sh.at[dst_v.at[i - 8]], add=True)

                @pl.when(i < NB_W)
                def _():
                    pltpu.async_copy(table_hbm.at[src_v.at[p * NB_W + i]],
                                     rows_v.at[pl.ds(b * K, K)], sems.at[b])
                return carry2

            lax.fori_loop(0, NB_W + 8, body, 0, unroll=False)
            plsc.subcore_barrier()

            pltpu.sync_copy(acc_sh.at[pl.ds(s * NROW_T, NROW_T)],
                            out_hbm.at[c * 2 + p].at[pl.ds(s * NROW_T,
                                                           NROW_T)])
            return carry

        lax.fori_loop(0, 2, one_pass, 0, unroll=False)

    return k(table2, srcs, dst3d, zeros)


_BLK = 1000


def _tc_embed(x, W, b):
    def body(x_ref, w_ref, b_ref, o_ref):
        o_ref[...] = (
            jnp.dot(x_ref[...], w_ref[...], preferred_element_type=jnp.float32)
            + b_ref[...]
        )

    return pl.pallas_call(
        body,
        grid=(N // _BLK,),
        in_specs=[
            pl.BlockSpec((_BLK, D), lambda i: (i, 0)),
            pl.BlockSpec((D, D), lambda i: (0, 0)),
            pl.BlockSpec((1, D), lambda i: (0, 0)),
        ],
        out_specs=pl.BlockSpec((_BLK, D), lambda i: (i, 0)),
        out_shape=jax.ShapeDtypeStruct((N, D), jnp.float32),
    )(x, W, b.reshape(1, D))


def _tc_self(inv, W_self, b_conv, W_feat, b_feat):
    def body(inv_ref, ws_ref, bc_ref, wf_ref, bf_ref, o_ref):
        h = jnp.dot(inv_ref[...], ws_ref[...], preferred_element_type=jnp.float32)
        h = h + bc_ref[...]
        o_ref[...] = (
            jnp.dot(h, wf_ref[...], preferred_element_type=jnp.float32)
            + bf_ref[...]
        )

    mat = pl.BlockSpec((_BLK, D), lambda i: (i, 0))
    wspec = pl.BlockSpec((D, D), lambda i: (0, 0))
    bspec = pl.BlockSpec((1, D), lambda i: (0, 0))
    return pl.pallas_call(
        body,
        grid=(N // _BLK,),
        in_specs=[mat, wspec, bspec, wspec, bspec],
        out_specs=mat,
        out_shape=jax.ShapeDtypeStruct((N, D), jnp.float32),
    )(inv, W_self, b_conv.reshape(1, D), W_feat, b_feat.reshape(1, D))


def _tc_combine(hs2, acc4, W_neigh, W_feat):
    def body(hs_ref, a_ref, wn_ref, wf_ref, o_ref):
        wnf = jnp.dot(wn_ref[...], wf_ref[...], preferred_element_type=jnp.float32)
        agg_h0 = a_ref[0] + a_ref[2]
        agg_h1 = a_ref[1] + a_ref[3]
        o = hs_ref[...]
        o = o + jnp.dot(agg_h0, wnf[0:DH, :], preferred_element_type=jnp.float32)
        o = o + jnp.dot(agg_h1, wnf[DH:D, :], preferred_element_type=jnp.float32)
        o_ref[...] = jnp.maximum(o, 0.0)

    mat = pl.BlockSpec((_BLK, D), lambda i: (i, 0))
    aspec = pl.BlockSpec((2 * NC, _BLK, DH), lambda i: (0, i, 0))
    wspec = pl.BlockSpec((D, D), lambda i: (0, 0))
    return pl.pallas_call(
        body,
        grid=(N // _BLK,),
        in_specs=[mat, aspec, wspec, wspec],
        out_specs=mat,
        out_shape=jax.ShapeDtypeStruct((N, D), jnp.float32),
    )(hs2, acc4, W_neigh, W_feat)


def kernel(x, pos, edge_index, W_emb, b_emb, W_self, W_neigh, b_conv,
           W_feat, b_feat):
    src = edge_index[0].astype(jnp.int32)
    sE = (2 * src).reshape(NW, NB_W, K)
    sO = (2 * src + 1).reshape(NW, NB_W, K)
    srcs = jnp.concatenate([sE, sO], axis=1)
    dst3d = edge_index[1].astype(jnp.int32).reshape(NW, NB_W, K)
    zeros = jnp.zeros((NP, DH), jnp.float32)

    inv = _tc_embed(x, W_emb, b_emb)
    for l in range(L):
        acc4 = _sc_segment_sum(inv.reshape(2 * N, DH), srcs, dst3d, zeros)
        hs2 = _tc_self(inv, W_self[l], b_conv[l], W_feat[l], b_feat[l])
        inv = _tc_combine(hs2, acc4, W_neigh[l], W_feat[l])
    return (inv, pos, edge_index)

# --- scband reference (transcript-rebuilt; emitter-appended) ---
"""Pipeline reference for scband-encoder-model-73358041415846 (READ-ONLY COPY).

The authoritative reference and input builder live on the scoring server;
editing this copy changes nothing except your own understanding.
"""

import jax, jax.numpy as jnp
import numpy as np

N_NODES = 10000
N_EDGES = 320000
D = 128
L = 3


def setup_inputs(seed: int = 0) -> dict:
    key = jax.random.key(seed)
    ks = jax.random.split(key, 12)
    x = jax.random.normal(ks[0], (N_NODES, D), dtype=jnp.float32)
    pos = jax.random.normal(ks[1], (N_NODES, 3), dtype=jnp.float32)
    edge_index = jax.random.randint(ks[2], (2, N_EDGES), 0, N_NODES, dtype=jnp.int64)
    s = 1.0 / np.sqrt(D)
    W_emb = jax.random.normal(ks[3], (D, D), dtype=jnp.float32) * s
    b_emb = jnp.zeros((D,), dtype=jnp.float32)
    W_self = jax.random.normal(ks[4], (L, D, D), dtype=jnp.float32) * s
    W_neigh = jax.random.normal(ks[5], (L, D, D), dtype=jnp.float32) * s
    b_conv = jnp.zeros((L, D), dtype=jnp.float32)
    W_feat = jax.random.normal(ks[6], (L, D, D), dtype=jnp.float32) * s
    b_feat = jnp.zeros((L, D), dtype=jnp.float32)
    return {
        "x": x, "pos": pos, "edge_index": edge_index,
        "W_emb": W_emb, "b_emb": b_emb,
        "W_self": W_self, "W_neigh": W_neigh, "b_conv": b_conv,
        "W_feat": W_feat, "b_feat": b_feat,
    }


def reference(x, pos, edge_index, W_emb, b_emb, W_self, W_neigh, b_conv, W_feat, b_feat):
    # _embedding: project raw node features to invariant features; equiv features = pos
    inv_node_feat = x @ W_emb + b_emb
    equiv_node_feat = pos
    src = edge_index[0]
    dst = edge_index[1]
    # stacked graph convs (SAGE-style sum aggregation) + per-layer feature MLP + activation
    for l in range(L):
        msgs = jnp.take(inv_node_feat, src, axis=0)              # gather  [E, D]
        agg = jax.ops.segment_sum(msgs, dst, num_segments=N_NODES)  # scatter-add [N, D]
        inv_node_feat = inv_node_feat @ W_self[l] + agg @ W_neigh[l] + b_conv[l]
        inv_node_feat = jax.nn.relu(inv_node_feat @ W_feat[l] + b_feat[l])
        # equiv_node_feat passed through unchanged by these invariant convs
    return (inv_node_feat, equiv_node_feat, edge_index)

if __name__ == "__main__":
    import jax
    _d = setup_inputs()
    print(jax.jit(kernel)(*tuple(_d.values())))

</pallas_src>

<mosaic_0001>
#map = affine_map<(d0, d1) -> (0, 0)>
#map1 = affine_map<(d0, d1) -> (0, 0, 0)>
module attributes {stable_mosaic.version = 14 : i64} {
  func.func @k(%arg0: i32, %arg1: i32, %arg2: memref<20000x64xf32, #tpu.memory_space<hbm>>, %arg3: memref<32x200x100xi32, #tpu.memory_space<hbm>>, %arg4: memref<32x100x100xi32, #tpu.memory_space<hbm>>, %arg5: memref<10240x64xf32, #tpu.memory_space<hbm>>, %arg6: memref<4x10240x64xf32, #tpu.memory_space<hbm>>, %arg7: memref<200x100xi32, #tpu.memory_space<vmem>>, %arg8: memref<100x100xi32, #tpu.memory_space<vmem>>, %arg9: memref<800x64xf32, #tpu.memory_space<vmem>>, %arg10: memref<10240x64xf32, #tpu.memory_space<vmem_shared>>, %arg11: memref<8x!tpu.dma_semaphore, #tpu.memory_space<semaphore_mem>>) attributes {dimension_semantics = [#tpu.dimension_semantics<core_parallel>, #tpu.dimension_semantics<subcore_parallel>], iteration_bounds = array<i64: 2, 16>, scalar_prefetch = 0 : i64, scratch_operands = 5 : i64, tpu.core_type = #tpu.core_type<sc_vector_subcore>, window_params = [{transform_indices = #map}, {transform_indices = #map1}, {transform_indices = #map1}, {transform_indices = #map}, {transform_indices = #map1}]} {
    %mul3A = arith.constant 16 : i32
    %mul3A_0 = arith.muli %arg0, %mul3A : i32
    %add3A = arith.addi %mul3A_0, %arg1 : i32
    "tpu.region"() ({
      %run_scoped3A = tpu.sem_alloc : memref<!tpu.dma_semaphore, #tpu.memory_space<semaphore_mem>>
      %dma_start3A = arith.constant 0 : i32
      %dma_start3A_6 = arith.constant 0 : i32
      %dma_start3A_7 = tpu.memref_slice %arg3[%add3A, %dma_start3A, %dma_start3A_6] : memref<32x200x100xi32, #tpu.memory_space<hbm>> -> memref<1x200x100xi32, #tpu.memory_space<hbm>>
      %dma_start3A_8 = tpu.memref_squeeze %dma_start3A_7 : memref<1x200x100xi32, #tpu.memory_space<hbm>> -> memref<200x100xi32, #tpu.memory_space<hbm>>
      %dma_start3A_9 = arith.constant 0 : i32
      %dma_start3A_10 = arith.constant 0 : i32
      %dma_start3A_11 = tpu.memref_slice %arg3[%add3A, %dma_start3A_9, %dma_start3A_10] : memref<32x200x100xi32, #tpu.memory_space<hbm>> -> memref<1x200x100xi32, #tpu.memory_space<hbm>>
      %dma_start3A_12 = tpu.memref_squeeze %dma_start3A_11 : memref<1x200x100xi32, #tpu.memory_space<hbm>> -> memref<200x100xi32, #tpu.memory_space<hbm>>
      tpu.enqueue_dma source(%dma_start3A_12 : memref<200x100xi32, #tpu.memory_space<hbm>>) target(%arg7 : memref<200x100xi32, #tpu.memory_space<vmem>>) target_semaphore(%run_scoped3A : memref<!tpu.dma_semaphore, #tpu.memory_space<semaphore_mem>>)
      %dma_wait3A = arith.constant 0 : i32
      %dma_wait3A_13 = arith.constant 0 : i32
      %dma_wait3A_14 = tpu.memref_slice %arg3[%add3A, %dma_wait3A, %dma_wait3A_13] : memref<32x200x100xi32, #tpu.memory_space<hbm>> -> memref<1x200x100xi32, #tpu.memory_space<hbm>>
      %dma_wait3A_15 = tpu.memref_squeeze %dma_wait3A_14 : memref<1x200x100xi32, #tpu.memory_space<hbm>> -> memref<200x100xi32, #tpu.memory_space<hbm>>
      %dma_wait3A_16 = arith.constant 0 : i32
      %dma_wait3A_17 = arith.constant 0 : i32
      %dma_wait3A_18 = tpu.memref_slice %arg3[%add3A, %dma_wait3A_16, %dma_wait3A_17] : memref<32x200x100xi32, #tpu.memory_space<hbm>> -> memref<1x200x100xi32, #tpu.memory_space<hbm>>
      %dma_wait3A_19 = tpu.memref_squeeze %dma_wait3A_18 : memref<1x200x100xi32, #tpu.memory_space<hbm>> -> memref<200x100xi32, #tpu.memory_space<hbm>>
      tpu.wait_dma2 semaphore(%run_scoped3A : memref<!tpu.dma_semaphore, #tpu.memory_space<semaphore_mem>>) src(%dma_wait3A_19 : memref<200x100xi32, #tpu.memory_space<hbm>>) dst(%arg7 : memref<200x100xi32, #tpu.memory_space<vmem>>)
      tpu.yield
    }) : () -> ()
    "tpu.region"() ({
      %run_scoped3A = tpu.sem_alloc : memref<!tpu.dma_semaphore, #tpu.memory_space<semaphore_mem>>
      %dma_start3A = arith.constant 0 : i32
      %dma_start3A_6 = arith.constant 0 : i32
      %dma_start3A_7 = tpu.memref_slice %arg4[%add3A, %dma_start3A, %dma_start3A_6] : memref<32x100x100xi32, #tpu.memory_space<hbm>> -> memref<1x100x100xi32, #tpu.memory_space<hbm>>
      %dma_start3A_8 = tpu.memref_squeeze %dma_start3A_7 : memref<1x100x100xi32, #tpu.memory_space<hbm>> -> memref<100x100xi32, #tpu.memory_space<hbm>>
      %dma_start3A_9 = arith.constant 0 : i32
      %dma_start3A_10 = arith.constant 0 : i32
      %dma_start3A_11 = tpu.memref_slice %arg4[%add3A, %dma_start3A_9, %dma_start3A_10] : memref<32x100x100xi32, #tpu.memory_space<hbm>> -> memref<1x100x100xi32, #tpu.memory_space<hbm>>
      %dma_start3A_12 = tpu.memref_squeeze %dma_start3A_11 : memref<1x100x100xi32, #tpu.memory_space<hbm>> -> memref<100x100xi32, #tpu.memory_space<hbm>>
      tpu.enqueue_dma source(%dma_start3A_12 : memref<100x100xi32, #tpu.memory_space<hbm>>) target(%arg8 : memref<100x100xi32, #tpu.memory_space<vmem>>) target_semaphore(%run_scoped3A : memref<!tpu.dma_semaphore, #tpu.memory_space<semaphore_mem>>)
      %dma_wait3A = arith.constant 0 : i32
      %dma_wait3A_13 = arith.constant 0 : i32
      %dma_wait3A_14 = tpu.memref_slice %arg4[%add3A, %dma_wait3A, %dma_wait3A_13] : memref<32x100x100xi32, #tpu.memory_space<hbm>> -> memref<1x100x100xi32, #tpu.memory_space<hbm>>
      %dma_wait3A_15 = tpu.memref_squeeze %dma_wait3A_14 : memref<1x100x100xi32, #tpu.memory_space<hbm>> -> memref<100x100xi32, #tpu.memory_space<hbm>>
      %dma_wait3A_16 = arith.constant 0 : i32
      %dma_wait3A_17 = arith.constant 0 : i32
      %dma_wait3A_18 = tpu.memref_slice %arg4[%add3A, %dma_wait3A_16, %dma_wait3A_17] : memref<32x100x100xi32, #tpu.memory_space<hbm>> -> memref<1x100x100xi32, #tpu.memory_space<hbm>>
      %dma_wait3A_19 = tpu.memref_squeeze %dma_wait3A_18 : memref<1x100x100xi32, #tpu.memory_space<hbm>> -> memref<100x100xi32, #tpu.memory_space<hbm>>
      tpu.wait_dma2 semaphore(%run_scoped3A : memref<!tpu.dma_semaphore, #tpu.memory_space<semaphore_mem>>) src(%dma_wait3A_19 : memref<100x100xi32, #tpu.memory_space<hbm>>) dst(%arg8 : memref<100x100xi32, #tpu.memory_space<vmem>>)
      tpu.yield
    }) : () -> ()
    %scan3A = arith.constant 0 : i32
    %scan3A_1 = arith.constant 0 : i32
    %scan3A_2 = arith.constant 2 : i32
    %scan3A_3 = arith.addi %scan3A_1, %scan3A_2 : i32
    %scan3A_4 = arith.constant 1 : i32
    scf.for %scan3A_6 = %scan3A_1 to %scan3A_3 step %scan3A_4  : i32 {
      %mul3A_7 = arith.constant 640 : i32
      %mul3A_8 = arith.muli %arg1, %mul3A_7 : i32
      %mul3A_9 = arith.constant 640 : i32
      %mul3A_10 = arith.muli %arg1, %mul3A_9 : i32
      "tpu.region"() ({
        %run_scoped3A = tpu.sem_alloc : memref<!tpu.dma_semaphore, #tpu.memory_space<semaphore_mem>>
        %dma_start3A = arith.constant 0 : i32
        %dma_start3A_25 = tpu.memref_slice %arg10[%mul3A_10, %dma_start3A] : memref<10240x64xf32, #tpu.memory_space<vmem_shared>> -> memref<640x64xf32, #tpu.memory_space<vmem_shared>>
        %dma_start3A_26 = arith.constant 0 : i32
        %dma_start3A_27 = tpu.memref_slice %arg5[%mul3A_8, %dma_start3A_26] : memref<10240x64xf32, #tpu.memory_space<hbm>> -> memref<640x64xf32, #tpu.memory_space<hbm>>
        tpu.enqueue_dma source(%dma_start3A_27 : memref<640x64xf32, #tpu.memory_space<hbm>>) target(%dma_start3A_25 : memref<640x64xf32, #tpu.memory_space<vmem_shared>>) target_semaphore(%run_scoped3A : memref<!tpu.dma_semaphore, #tpu.memory_space<semaphore_mem>>)
        %dma_wait3A = arith.constant 0 : i32
        %dma_wait3A_28 = tpu.memref_slice %arg10[%mul3A_10, %dma_wait3A] : memref<10240x64xf32, #tpu.memory_space<vmem_shared>> -> memref<640x64xf32, #tpu.memory_space<vmem_shared>>
        %dma_wait3A_29 = arith.constant 0 : i32
        %dma_wait3A_30 = tpu.memref_slice %arg5[%mul3A_8, %dma_wait3A_29] : memref<10240x64xf32, #tpu.memory_space<hbm>> -> memref<640x64xf32, #tpu.memory_space<hbm>>
        tpu.wait_dma2 semaphore(%run_scoped3A : memref<!tpu.dma_semaphore, #tpu.memory_space<semaphore_mem>>) src(%dma_wait3A_30 : memref<640x64xf32, #tpu.memory_space<hbm>>) dst(%dma_wait3A_28 : memref<640x64xf32, #tpu.memory_space<vmem_shared>>)
        tpu.yield
      }) : () -> ()
      %barrier3A = arith.constant 0 : index
      tpu.barrier barrier_id(%barrier3A)
      %scan3A_11 = arith.constant 0 : i32
      %scan3A_12 = arith.constant 0 : i32
      %scan3A_13 = arith.constant 108 : i32
      %scan3A_14 = arith.addi %scan3A_12, %scan3A_13 : i32
      %scan3A_15 = arith.constant 1 : i32
      scf.for %scan3A_25 = %scan3A_12 to %scan3A_14 step %scan3A_15  : i32 {
        %rem3A = arith.constant 8 : i32
        %rem3A_26 = arith.remsi %scan3A_25, %rem3A : i32
        %ge3A = arith.constant 8 : i32
        %ge3A_27 = arith.cmpi sge, %scan3A_25, %ge3A : i32
        %convert_element_type3A = arith.extui %ge3A_27 : i1 to i32
        %cond3A = arith.constant 0 : i32
        %cond3A_28 = arith.cmpi ne, %convert_element_type3A, %cond3A : i32
        scf.if %cond3A_28 {
          %dma_wait3A = arith.constant 0 : i32
          %dma_wait3A_33 = arith.constant 0 : i32
          %dma_wait3A_34 = tpu.memref_slice %arg9[%dma_wait3A, %dma_wait3A_33] : memref<800x64xf32, #tpu.memory_space<vmem>> -> memref<100x64xf32, #tpu.memory_space<vmem>>
          %dma_wait3A_35 = arith.constant 0 : i32
          %dma_wait3A_36 = arith.constant 0 : i32
          %dma_wait3A_37 = tpu.memref_slice %arg2[%dma_wait3A_35, %dma_wait3A_36] : memref<20000x64xf32, #tpu.memory_space<hbm>> -> memref<100x64xf32, #tpu.memory_space<hbm>>
          %dma_wait3A_38 = tpu.memref_slice %arg11[%rem3A_26] : memref<8x!tpu.dma_semaphore, #tpu.memory_space<semaphore_mem>> -> memref<1x!tpu.dma_semaphore, #tpu.memory_space<semaphore_mem>>
          %dma_wait3A_39 = tpu.memref_squeeze %dma_wait3A_38 : memref<1x!tpu.dma_semaphore, #tpu.memory_space<semaphore_mem>> -> memref<!tpu.dma_semaphore, #tpu.memory_space<semaphore_mem>>
          %dma_wait3A_40 = arith.constant 0 : i32
          %dma_wait3A_41 = arith.constant 0 : i32
          %dma_wait3A_42 = tpu.memref_slice %arg9[%dma_wait3A_40, %dma_wait3A_41] : memref<800x64xf32, #tpu.memory_space<vmem>> -> memref<100x64xf32, #tpu.memory_space<vmem>>
          %dma_wait3A_43 = arith.constant 0 : i32
          %dma_wait3A_44 = arith.constant 0 : i32
          %dma_wait3A_45 = tpu.memref_slice %arg2[%dma_wait3A_43, %dma_wait3A_44] : memref<20000x64xf32, #tpu.memory_space<hbm>> -> memref<100x64xf32, #tpu.memory_space<hbm>>
          tpu.wait_dma2 semaphore(%dma_wait3A_39 : memref<!tpu.dma_semaphore, #tpu.memory_space<semaphore_mem>>) src(%dma_wait3A_45 : memref<100x64xf32, #tpu.memory_space<hbm>>) dst(%dma_wait3A_42 : memref<100x64xf32, #tpu.memory_space<vmem>>)
          %mul3A_46 = arith.constant 100 : i32
          %mul3A_47 = arith.muli %rem3A_26, %mul3A_46 : i32
          %sub3A = arith.constant 8 : i32
          %sub3A_48 = arith.subi %scan3A_25, %sub3A : i32
          "tpu.region"() ({
            %run_scoped3A = tpu.sem_alloc : memref<!tpu.dma_semaphore, #tpu.memory_space<semaphore_mem>>
            %dma_start3A = arith.constant 0 : i32
            %dma_start3A_49 = tpu.memref_slice %arg9[%mul3A_47, %dma_start3A] : memref<800x64xf32, #tpu.memory_space<vmem>> -> memref<100x64xf32, #tpu.memory_space<vmem>>
            %dma_start3A_50 = arith.constant 0 : i32
            %dma_start3A_51 = tpu.memref_slice %arg8[%sub3A_48, %dma_start3A_50] : memref<100x100xi32, #tpu.memory_space<vmem>> -> memref<1x100xi32, #tpu.memory_space<vmem>>
            %dma_start3A_52 = tpu.memref_squeeze %dma_start3A_51 : memref<1x100xi32, #tpu.memory_space<vmem>> -> memref<100xi32, #tpu.memory_space<vmem>>
            %dma_start3A_53 = arith.constant 0 : i32
            %dma_start3A_54 = arith.constant 0 : i32
            %dma_start3A_55 = tpu.memref_slice %arg10[%dma_start3A_53, %dma_start3A_54] : memref<10240x64xf32, #tpu.memory_space<vmem_shared>> -> memref<10240x64xf32, #tpu.memory_space<vmem_shared>>
            tpu.enqueue_indirect_dma source(%dma_start3A_49 : memref<100x64xf32, #tpu.memory_space<vmem>>) target(%dma_start3A_55 : memref<10240x64xf32, #tpu.memory_space<vmem_shared>>) offsets(%dma_start3A_52 : memref<100xi32, #tpu.memory_space<vmem>>) semaphore(%run_scoped3A : memref<!tpu.dma_semaphore, #tpu.memory_space<semaphore_mem>>) {add = true}
            %dma_wait3A_56 = arith.constant 0 : i32
            %dma_wait3A_57 = tpu.memref_slice %arg9[%mul3A_47, %dma_wait3A_56] : memref<800x64xf32, #tpu.memory_space<vmem>> -> memref<100x64xf32, #tpu.memory_space<vmem>>
            %dma_wait3A_58 = arith.constant 0 : i32
            %dma_wait3A_59 = tpu.memref_slice %arg8[%sub3A_48, %dma_wait3A_58] : memref<100x100xi32, #tpu.memory_space<vmem>> -> memref<1x100xi32, #tpu.memory_space<vmem>>
            %dma_wait3A_60 = tpu.memref_squeeze %dma_wait3A_59 : memref<1x100xi32, #tpu.memory_space<vmem>> -> memref<100xi32, #tpu.memory_space<vmem>>
            %dma_wait3A_61 = arith.constant 0 : i32
            %dma_wait3A_62 = arith.constant 0 : i32
            %dma_wait3A_63 = tpu.memref_slice %arg10[%dma_wait3A_61, %dma_wait3A_62] : memref<10240x64xf32, #tpu.memory_space<vmem_shared>> -> memref<10240x64xf32, #tpu.memory_space<vmem_shared>>
            tpu.wait_indirect_dma semaphore(%run_scoped3A : memref<!tpu.dma_semaphore, #tpu.memory_space<semaphore_mem>>) src(%dma_wait3A_57 : memref<100x64xf32, #tpu.memory_space<vmem>>) dst(%dma_wait3A_63 : memref<10240x64xf32, #tpu.memory_space<vmem_shared>>)
            tpu.yield
          }) : () -> ()
        } else {
        }
        %lt3A = arith.constant 100 : i32
        %lt3A_29 = arith.cmpi slt, %scan3A_25, %lt3A : i32
        %convert_element_type3A_30 = arith.extui %lt3A_29 : i1 to i32
        %cond3A_31 = arith.constant 0 : i32
        %cond3A_32 = arith.cmpi ne, %convert_element_type3A_30, %cond3A_31 : i32
        scf.if %cond3A_32 {
          %mul3A_33 = arith.constant 100 : i32
          %mul3A_34 = arith.muli %scan3A_6, %mul3A_33 : i32
          %add3A_35 = arith.addi %mul3A_34, %scan3A_25 : i32
          %mul3A_36 = arith.constant 100 : i32
          %mul3A_37 = arith.muli %rem3A_26, %mul3A_36 : i32
          %dma_start3A = arith.constant 0 : i32
          %dma_start3A_38 = tpu.memref_slice %arg9[%mul3A_37, %dma_start3A] : memref<800x64xf32, #tpu.memory_space<vmem>> -> memref<100x64xf32, #tpu.memory_space<vmem>>
          %dma_start3A_39 = arith.constant 0 : i32
          %dma_start3A_40 = tpu.memref_slice %arg7[%add3A_35, %dma_start3A_39] : memref<200x100xi32, #tpu.memory_space<vmem>> -> memref<1x100xi32, #tpu.memory_space<vmem>>
          %dma_start3A_41 = tpu.memref_squeeze %dma_start3A_40 : memref<1x100xi32, #tpu.memory_space<vmem>> -> memref<100xi32, #tpu.memory_space<vmem>>
          %dma_start3A_42 = arith.constant 0 : i32
          %dma_start3A_43 = arith.constant 0 : i32
          %dma_start3A_44 = tpu.memref_slice %arg2[%dma_start3A_42, %dma_start3A_43] : memref<20000x64xf32, #tpu.memory_space<hbm>> -> memref<20000x64xf32, #tpu.memory_space<hbm>>
          %dma_start3A_45 = tpu.memref_slice %arg11[%rem3A_26] : memref<8x!tpu.dma_semaphore, #tpu.memory_space<semaphore_mem>> -> memref<1x!tpu.dma_semaphore, #tpu.memory_space<semaphore_mem>>
          %dma_start3A_46 = tpu.memref_squeeze %dma_start3A_45 : memref<1x!tpu.dma_semaphore, #tpu.memory_space<semaphore_mem>> -> memref<!tpu.dma_semaphore, #tpu.memory_space<semaphore_mem>>
          tpu.enqueue_indirect_dma source(%dma_start3A_44 : memref<20000x64xf32, #tpu.memory_space<hbm>>) target(%dma_start3A_38 : memref<100x64xf32, #tpu.memory_space<vmem>>) offsets(%dma_start3A_41 : memref<100xi32, #tpu.memory_space<vmem>>) semaphore(%dma_start3A_46 : memref<!tpu.dma_semaphore, #tpu.memory_space<semaphore_mem>>)
        } else {
        }
      }
      %scan3A_16 = arith.constant 108 : i32
      %barrier3A_17 = arith.constant 0 : index
      tpu.barrier barrier_id(%barrier3A_17)
      %mul3A_18 = arith.constant 640 : i32
      %mul3A_19 = arith.muli %arg1, %mul3A_18 : i32
      %mul3A_20 = arith.constant 2 : i32
      %mul3A_21 = arith.muli %arg0, %mul3A_20 : i32
      %add3A_22 = arith.addi %mul3A_21, %scan3A_6 : i32
      %mul3A_23 = arith.constant 640 : i32
      %mul3A_24 = arith.muli %arg1, %mul3A_23 : i32
      "tpu.region"() ({
        %run_scoped3A = tpu.sem_alloc : memref<!tpu.dma_semaphore, #tpu.memory_space<semaphore_mem>>
        %dma_start3A = arith.constant 0 : i32
        %dma_start3A_25 = arith.constant 0 : i32
        %dma_start3A_26 = tpu.memref_slice %arg6[%add3A_22, %dma_start3A, %dma_start3A_25] : memref<4x10240x64xf32, #tpu.memory_space<hbm>> -> memref<1x10240x64xf32, #tpu.memory_space<hbm>>
        %dma_start3A_27 = tpu.memref_squeeze %dma_start3A_26 : memref<1x10240x64xf32, #tpu.memory_space<hbm>> -> memref<10240x64xf32, #tpu.memory_space<hbm>>
        %dma_start3A_28 = arith.constant 0 : i32
        %dma_start3A_29 = tpu.memref_slice %dma_start3A_27[%mul3A_24, %dma_start3A_28] : memref<10240x64xf32, #tpu.memory_space<hbm>> -> memref<640x64xf32, #tpu.memory_space<hbm>>
        %dma_start3A_30 = arith.constant 0 : i32
        %dma_start3A_31 = tpu.memref_slice %arg10[%mul3A_19, %dma_start3A_30] : memref<10240x64xf32, #tpu.memory_space<vmem_shared>> -> memref<640x64xf32, #tpu.memory_space<vmem_shared>>
        tpu.enqueue_dma source(%dma_start3A_31 : memref<640x64xf32, #tpu.memory_space<vmem_shared>>) target(%dma_start3A_29 : memref<640x64xf32, #tpu.memory_space<hbm>>) target_semaphore(%run_scoped3A : memref<!tpu.dma_semaphore, #tpu.memory_space<semaphore_mem>>)
        %dma_wait3A = arith.constant 0 : i32
        %dma_wait3A_32 = arith.constant 0 : i32
        %dma_wait3A_33 = tpu.memref_slice %arg6[%add3A_22, %dma_wait3A, %dma_wait3A_32] : memref<4x10240x64xf32, #tpu.memory_space<hbm>> -> memref<1x10240x64xf32, #tpu.memory_space<hbm>>
        %dma_wait3A_34 = tpu.memref_squeeze %dma_wait3A_33 : memref<1x10240x64xf32, #tpu.memory_space<hbm>> -> memref<10240x64xf32, #tpu.memory_space<hbm>>
        %dma_wait3A_35 = arith.constant 0 : i32
        %dma_wait3A_36 = tpu.memref_slice %dma_wait3A_34[%mul3A_24, %dma_wait3A_35] : memref<10240x64xf32, #tpu.memory_space<hbm>> -> memref<640x64xf32, #tpu.memory_space<hbm>>
        %dma_wait3A_37 = arith.constant 0 : i32
        %dma_wait3A_38 = tpu.memref_slice %arg10[%mul3A_19, %dma_wait3A_37] : memref<10240x64xf32, #tpu.memory_space<vmem_shared>> -> memref<640x64xf32, #tpu.memory_space<vmem_shared>>
        tpu.wait_dma2 semaphore(%run_scoped3A : memref<!tpu.dma_semaphore, #tpu.memory_space<semaphore_mem>>) src(%dma_wait3A_38 : memref<640x64xf32, #tpu.memory_space<vmem_shared>>) dst(%dma_wait3A_36 : memref<640x64xf32, #tpu.memory_space<hbm>>)
        tpu.yield
      }) : () -> ()
    }
    %scan3A_5 = arith.constant 2 : i32
    return
  }
}

#map = affine_map<(d0, d1) -> (0, 0)>
#map1 = affine_map<(d0, d1) -> (0, 0, 0)>
module attributes {stable_mosaic.version = 14 : i64} {
  func.func @k(%arg0: i32, %arg1: i32, %arg2: memref<20000x64xf32, #tpu.memory_space<hbm>>, %arg3: memref<32x200x100xi32, #tpu.memory_space<hbm>>, %arg4: memref<32x100x100xi32, #tpu.memory_space<hbm>>, %arg5: memref<10240x64xf32, #tpu.memory_space<hbm>>, %arg6: memref<4x10240x64xf32, #tpu.memory_space<hbm>>, %arg7: memref<200x100xi32, #tpu.memory_space<vmem>>, %arg8: memref<100x100xi32, #tpu.memory_space<vmem>>, %arg9: memref<800x64xf32, #tpu.memory_space<vmem>>, %arg10: memref<10240x64xf32, #tpu.memory_space<vmem_shared>>, %arg11: memref<8x!tpu.dma_semaphore, #tpu.memory_space<semaphore_mem>>) attributes {dimension_semantics = [#tpu.dimension_semantics<core_parallel>, #tpu.dimension_semantics<subcore_parallel>], iteration_bounds = array<i64: 2, 16>, scalar_prefetch = 0 : i64, scratch_operands = 5 : i64, tpu.core_type = #tpu.core_type<sc_vector_subcore>, window_params = [{transform_indices = #map}, {transform_indices = #map1}, {transform_indices = #map1}, {transform_indices = #map}, {transform_indices = #map1}]} {
    %mul3A = arith.constant 16 : i32
    %mul3A_0 = arith.muli %arg0, %mul3A : i32
    %add3A = arith.addi %mul3A_0, %arg1 : i32
    "tpu.region"() ({
      %run_scoped3A = tpu.sem_alloc : memref<!tpu.dma_semaphore, #tpu.memory_space<semaphore_mem>>
      %dma_start3A = arith.constant 0 : i32
      %dma_start3A_6 = arith.constant 0 : i32
      %dma_start3A_7 = tpu.memref_slice %arg3[%add3A, %dma_start3A, %dma_start3A_6] : memref<32x200x100xi32, #tpu.memory_space<hbm>> -> memref<1x200x100xi32, #tpu.memory_space<hbm>>
      %dma_start3A_8 = tpu.memref_squeeze %dma_start3A_7 : memref<1x200x100xi32, #tpu.memory_space<hbm>> -> memref<200x100xi32, #tpu.memory_space<hbm>>
      %dma_start3A_9 = arith.constant 0 : i32
      %dma_start3A_10 = arith.constant 0 : i32
      %dma_start3A_11 = tpu.memref_slice %arg3[%add3A, %dma_start3A_9, %dma_start3A_10] : memref<32x200x100xi32, #tpu.memory_space<hbm>> -> memref<1x200x100xi32, #tpu.memory_space<hbm>>
      %dma_start3A_12 = tpu.memref_squeeze %dma_start3A_11 : memref<1x200x100xi32, #tpu.memory_space<hbm>> -> memref<200x100xi32, #tpu.memory_space<hbm>>
      tpu.enqueue_dma source(%dma_start3A_12 : memref<200x100xi32, #tpu.memory_space<hbm>>) target(%arg7 : memref<200x100xi32, #tpu.memory_space<vmem>>) target_semaphore(%run_scoped3A : memref<!tpu.dma_semaphore, #tpu.memory_space<semaphore_mem>>)
      %dma_wait3A = arith.constant 0 : i32
      %dma_wait3A_13 = arith.constant 0 : i32
      %dma_wait3A_14 = tpu.memref_slice %arg3[%add3A, %dma_wait3A, %dma_wait3A_13] : memref<32x200x100xi32, #tpu.memory_space<hbm>> -> memref<1x200x100xi32, #tpu.memory_space<hbm>>
      %dma_wait3A_15 = tpu.memref_squeeze %dma_wait3A_14 : memref<1x200x100xi32, #tpu.memory_space<hbm>> -> memref<200x100xi32, #tpu.memory_space<hbm>>
      %dma_wait3A_16 = arith.constant 0 : i32
      %dma_wait3A_17 = arith.constant 0 : i32
      %dma_wait3A_18 = tpu.memref_slice %arg3[%add3A, %dma_wait3A_16, %dma_wait3A_17] : memref<32x200x100xi32, #tpu.memory_space<hbm>> -> memref<1x200x100xi32, #tpu.memory_space<hbm>>
      %dma_wait3A_19 = tpu.memref_squeeze %dma_wait3A_18 : memref<1x200x100xi32, #tpu.memory_space<hbm>> -> memref<200x100xi32, #tpu.memory_space<hbm>>
      tpu.wait_dma2 semaphore(%run_scoped3A : memref<!tpu.dma_semaphore, #tpu.memory_space<semaphore_mem>>) src(%dma_wait3A_19 : memref<200x100xi32, #tpu.memory_space<hbm>>) dst(%arg7 : memref<200x100xi32, #tpu.memory_space<vmem>>)
      tpu.yield
    }) : () -> ()
    "tpu.region"() ({
      %run_scoped3A = tpu.sem_alloc : memref<!tpu.dma_semaphore, #tpu.memory_space<semaphore_mem>>
      %dma_start3A = arith.constant 0 : i32
      %dma_start3A_6 = arith.constant 0 : i32
      %dma_start3A_7 = tpu.memref_slice %arg4[%add3A, %dma_start3A, %dma_start3A_6] : memref<32x100x100xi32, #tpu.memory_space<hbm>> -> memref<1x100x100xi32, #tpu.memory_space<hbm>>
      %dma_start3A_8 = tpu.memref_squeeze %dma_start3A_7 : memref<1x100x100xi32, #tpu.memory_space<hbm>> -> memref<100x100xi32, #tpu.memory_space<hbm>>
      %dma_start3A_9 = arith.constant 0 : i32
      %dma_start3A_10 = arith.constant 0 : i32
      %dma_start3A_11 = tpu.memref_slice %arg4[%add3A, %dma_start3A_9, %dma_start3A_10] : memref<32x100x100xi32, #tpu.memory_space<hbm>> -> memref<1x100x100xi32, #tpu.memory_space<hbm>>
      %dma_start3A_12 = tpu.memref_squeeze %dma_start3A_11 : memref<1x100x100xi32, #tpu.memory_space<hbm>> -> memref<100x100xi32, #tpu.memory_space<hbm>>
      tpu.enqueue_dma source(%dma_start3A_12 : memref<100x100xi32, #tpu.memory_space<hbm>>) target(%arg8 : memref<100x100xi32, #tpu.memory_space<vmem>>) target_semaphore(%run_scoped3A : memref<!tpu.dma_semaphore, #tpu.memory_space<semaphore_mem>>)
      %dma_wait3A = arith.constant 0 : i32
      %dma_wait3A_13 = arith.constant 0 : i32
      %dma_wait3A_14 = tpu.memref_slice %arg4[%add3A, %dma_wait3A, %dma_wait3A_13] : memref<32x100x100xi32, #tpu.memory_space<hbm>> -> memref<1x100x100xi32, #tpu.memory_space<hbm>>
      %dma_wait3A_15 = tpu.memref_squeeze %dma_wait3A_14 : memref<1x100x100xi32, #tpu.memory_space<hbm>> -> memref<100x100xi32, #tpu.memory_space<hbm>>
      %dma_wait3A_16 = arith.constant 0 : i32
      %dma_wait3A_17 = arith.constant 0 : i32
      %dma_wait3A_18 = tpu.memref_slice %arg4[%add3A, %dma_wait3A_16, %dma_wait3A_17] : memref<32x100x100xi32, #tpu.memory_space<hbm>> -> memref<1x100x100xi32, #tpu.memory_space<hbm>>
      %dma_wait3A_19 = tpu.memref_squeeze %dma_wait3A_18 : memref<1x100x100xi32, #tpu.memory_space<hbm>> -> memref<100x100xi32, #tpu.memory_space<hbm>>
      tpu.wait_dma2 semaphore(%run_scoped3A : memref<!tpu.dma_semaphore, #tpu.memory_space<semaphore_mem>>) src(%dma_wait3A_19 : memref<100x100xi32, #tpu.memory_space<hbm>>) dst(%arg8 : memref<100x100xi32, #tpu.memory_space<vmem>>)
      tpu.yield
    }) : () -> ()
    %scan3A = arith.constant 0 : i32
    %scan3A_1 = arith.constant 0 : i32
    %scan3A_2 = arith.constant 2 : i32
    %scan3A_3 = arith.addi %scan3A_1, %scan3A_2 : i32
    %scan3A_4 = arith.constant 1 : i32
    scf.for %scan3A_6 = %scan3A_1 to %scan3A_3 step %scan3A_4  : i32 {
      %mul3A_7 = arith.constant 640 : i32
      %mul3A_8 = arith.muli %arg1, %mul3A_7 : i32
      %mul3A_9 = arith.constant 640 : i32
      %mul3A_10 = arith.muli %arg1, %mul3A_9 : i32
      "tpu.region"() ({
        %run_scoped3A = tpu.sem_alloc : memref<!tpu.dma_semaphore, #tpu.memory_space<semaphore_mem>>
        %dma_start3A = arith.constant 0 : i32
        %dma_start3A_25 = tpu.memref_slice %arg10[%mul3A_10, %dma_start3A] : memref<10240x64xf32, #tpu.memory_space<vmem_shared>> -> memref<640x64xf32, #tpu.memory_space<vmem_shared>>
        %dma_start3A_26 = arith.constant 0 : i32
        %dma_start3A_27 = tpu.memref_slice %arg5[%mul3A_8, %dma_start3A_26] : memref<10240x64xf32, #tpu.memory_space<hbm>> -> memref<640x64xf32, #tpu.memory_space<hbm>>
        tpu.enqueue_dma source(%dma_start3A_27 : memref<640x64xf32, #tpu.memory_space<hbm>>) target(%dma_start3A_25 : memref<640x64xf32, #tpu.memory_space<vmem_shared>>) target_semaphore(%run_scoped3A : memref<!tpu.dma_semaphore, #tpu.memory_space<semaphore_mem>>)
        %dma_wait3A = arith.constant 0 : i32
        %dma_wait3A_28 = tpu.memref_slice %arg10[%mul3A_10, %dma_wait3A] : memref<10240x64xf32, #tpu.memory_space<vmem_shared>> -> memref<640x64xf32, #tpu.memory_space<vmem_shared>>
        %dma_wait3A_29 = arith.constant 0 : i32
        %dma_wait3A_30 = tpu.memref_slice %arg5[%mul3A_8, %dma_wait3A_29] : memref<10240x64xf32, #tpu.memory_space<hbm>> -> memref<640x64xf32, #tpu.memory_space<hbm>>
        tpu.wait_dma2 semaphore(%run_scoped3A : memref<!tpu.dma_semaphore, #tpu.memory_space<semaphore_mem>>) src(%dma_wait3A_30 : memref<640x64xf32, #tpu.memory_space<hbm>>) dst(%dma_wait3A_28 : memref<640x64xf32, #tpu.memory_space<vmem_shared>>)
        tpu.yield
      }) : () -> ()
      %barrier3A = arith.constant 0 : index
      tpu.barrier barrier_id(%barrier3A)
      %scan3A_11 = arith.constant 0 : i32
      %scan3A_12 = arith.constant 0 : i32
      %scan3A_13 = arith.constant 108 : i32
      %scan3A_14 = arith.addi %scan3A_12, %scan3A_13 : i32
      %scan3A_15 = arith.constant 1 : i32
      scf.for %scan3A_25 = %scan3A_12 to %scan3A_14 step %scan3A_15  : i32 {
        %rem3A = arith.constant 8 : i32
        %rem3A_26 = arith.remsi %scan3A_25, %rem3A : i32
        %ge3A = arith.constant 8 : i32
        %ge3A_27 = arith.cmpi sge, %scan3A_25, %ge3A : i32
        %convert_element_type3A = arith.extui %ge3A_27 : i1 to i32
        %cond3A = arith.constant 0 : i32
        %cond3A_28 = arith.cmpi ne, %convert_element_type3A, %cond3A : i32
        scf.if %cond3A_28 {
          %dma_wait3A = arith.constant 0 : i32
          %dma_wait3A_33 = arith.constant 0 : i32
          %dma_wait3A_34 = tpu.memref_slice %arg9[%dma_wait3A, %dma_wait3A_33] : memref<800x64xf32, #tpu.memory_space<vmem>> -> memref<100x64xf32, #tpu.memory_space<vmem>>
          %dma_wait3A_35 = arith.constant 0 : i32
          %dma_wait3A_36 = arith.constant 0 : i32
          %dma_wait3A_37 = tpu.memref_slice %arg2[%dma_wait3A_35, %dma_wait3A_36] : memref<20000x64xf32, #tpu.memory_space<hbm>> -> memref<100x64xf32, #tpu.memory_space<hbm>>
          %dma_wait3A_38 = tpu.memref_slice %arg11[%rem3A_26] : memref<8x!tpu.dma_semaphore, #tpu.memory_space<semaphore_mem>> -> memref<1x!tpu.dma_semaphore, #tpu.memory_space<semaphore_mem>>
          %dma_wait3A_39 = tpu.memref_squeeze %dma_wait3A_38 : memref<1x!tpu.dma_semaphore, #tpu.memory_space<semaphore_mem>> -> memref<!tpu.dma_semaphore, #tpu.memory_space<semaphore_mem>>
          %dma_wait3A_40 = arith.constant 0 : i32
          %dma_wait3A_41 = arith.constant 0 : i32
          %dma_wait3A_42 = tpu.memref_slice %arg9[%dma_wait3A_40, %dma_wait3A_41] : memref<800x64xf32, #tpu.memory_space<vmem>> -> memref<100x64xf32, #tpu.memory_space<vmem>>
          %dma_wait3A_43 = arith.constant 0 : i32
          %dma_wait3A_44 = arith.constant 0 : i32
          %dma_wait3A_45 = tpu.memref_slice %arg2[%dma_wait3A_43, %dma_wait3A_44] : memref<20000x64xf32, #tpu.memory_space<hbm>> -> memref<100x64xf32, #tpu.memory_space<hbm>>
          tpu.wait_dma2 semaphore(%dma_wait3A_39 : memref<!tpu.dma_semaphore, #tpu.memory_space<semaphore_mem>>) src(%dma_wait3A_45 : memref<100x64xf32, #tpu.memory_space<hbm>>) dst(%dma_wait3A_42 : memref<100x64xf32, #tpu.memory_space<vmem>>)
          %mul3A_46 = arith.constant 100 : i32
          %mul3A_47 = arith.muli %rem3A_26, %mul3A_46 : i32
          %sub3A = arith.constant 8 : i32
          %sub3A_48 = arith.subi %scan3A_25, %sub3A : i32
          "tpu.region"() ({
            %run_scoped3A = tpu.sem_alloc : memref<!tpu.dma_semaphore, #tpu.memory_space<semaphore_mem>>
            %dma_start3A = arith.constant 0 : i32
            %dma_start3A_49 = tpu.memref_slice %arg9[%mul3A_47, %dma_start3A] : memref<800x64xf32, #tpu.memory_space<vmem>> -> memref<100x64xf32, #tpu.memory_space<vmem>>
            %dma_start3A_50 = arith.constant 0 : i32
            %dma_start3A_51 = tpu.memref_slice %arg8[%sub3A_48, %dma_start3A_50] : memref<100x100xi32, #tpu.memory_space<vmem>> -> memref<1x100xi32, #tpu.memory_space<vmem>>
            %dma_start3A_52 = tpu.memref_squeeze %dma_start3A_51 : memref<1x100xi32, #tpu.memory_space<vmem>> -> memref<100xi32, #tpu.memory_space<vmem>>
            %dma_start3A_53 = arith.constant 0 : i32
            %dma_start3A_54 = arith.constant 0 : i32
            %dma_start3A_55 = tpu.memref_slice %arg10[%dma_start3A_53, %dma_start3A_54] : memref<10240x64xf32, #tpu.memory_space<vmem_shared>> -> memref<10240x64xf32, #tpu.memory_space<vmem_shared>>
            tpu.enqueue_indirect_dma source(%dma_start3A_49 : memref<100x64xf32, #tpu.memory_space<vmem>>) target(%dma_start3A_55 : memref<10240x64xf32, #tpu.memory_space<vmem_shared>>) offsets(%dma_start3A_52 : memref<100xi32, #tpu.memory_space<vmem>>) semaphore(%run_scoped3A : memref<!tpu.dma_semaphore, #tpu.memory_space<semaphore_mem>>) {add = true}
            %dma_wait3A_56 = arith.constant 0 : i32
            %dma_wait3A_57 = tpu.memref_slice %arg9[%mul3A_47, %dma_wait3A_56] : memref<800x64xf32, #tpu.memory_space<vmem>> -> memref<100x64xf32, #tpu.memory_space<vmem>>
            %dma_wait3A_58 = arith.constant 0 : i32
            %dma_wait3A_59 = tpu.memref_slice %arg8[%sub3A_48, %dma_wait3A_58] : memref<100x100xi32, #tpu.memory_space<vmem>> -> memref<1x100xi32, #tpu.memory_space<vmem>>
            %dma_wait3A_60 = tpu.memref_squeeze %dma_wait3A_59 : memref<1x100xi32, #tpu.memory_space<vmem>> -> memref<100xi32, #tpu.memory_space<vmem>>
            %dma_wait3A_61 = arith.constant 0 : i32
            %dma_wait3A_62 = arith.constant 0 : i32
            %dma_wait3A_63 = tpu.memref_slice %arg10[%dma_wait3A_61, %dma_wait3A_62] : memref<10240x64xf32, #tpu.memory_space<vmem_shared>> -> memref<10240x64xf32, #tpu.memory_space<vmem_shared>>
            tpu.wait_indirect_dma semaphore(%run_scoped3A : memref<!tpu.dma_semaphore, #tpu.memory_space<semaphore_mem>>) src(%dma_wait3A_57 : memref<100x64xf32, #tpu.memory_space<vmem>>) dst(%dma_wait3A_63 : memref<10240x64xf32, #tpu.memory_space<vmem_shared>>)
            tpu.yield
          }) : () -> ()
        } else {
        }
        %lt3A = arith.constant 100 : i32
        %lt3A_29 = arith.cmpi slt, %scan3A_25, %lt3A : i32
        %convert_element_type3A_30 = arith.extui %lt3A_29 : i1 to i32
        %cond3A_31 = arith.constant 0 : i32
        %cond3A_32 = arith.cmpi ne, %convert_element_type3A_30, %cond3A_31 : i32
        scf.if %cond3A_32 {
          %mul3A_33 = arith.constant 100 : i32
          %mul3A_34 = arith.muli %scan3A_6, %mul3A_33 : i32
          %add3A_35 = arith.addi %mul3A_34, %scan3A_25 : i32
          %mul3A_36 = arith.constant 100 : i32
          %mul3A_37 = arith.muli %rem3A_26, %mul3A_36 : i32
          %dma_start3A = arith.constant 0 : i32
          %dma_start3A_38 = tpu.memref_slice %arg9[%mul3A_37, %dma_start3A] : memref<800x64xf32, #tpu.memory_space<vmem>> -> memref<100x64xf32, #tpu.memory_space<vmem>>
          %dma_start3A_39 = arith.constant 0 : i32
          %dma_start3A_40 = tpu.memref_slice %arg7[%add3A_35, %dma_start3A_39] : memref<200x100xi32, #tpu.memory_space<vmem>> -> memref<1x100xi32, #tpu.memory_space<vmem>>
          %dma_start3A_41 = tpu.memref_squeeze %dma_start3A_40 : memref<1x100xi32, #tpu.memory_space<vmem>> -> memref<100xi32, #tpu.memory_space<vmem>>
          %dma_start3A_42 = arith.constant 0 : i32
          %dma_start3A_43 = arith.constant 0 : i32
          %dma_start3A_44 = tpu.memref_slice %arg2[%dma_start3A_42, %dma_start3A_43] : memref<20000x64xf32, #tpu.memory_space<hbm>> -> memref<20000x64xf32, #tpu.memory_space<hbm>>
          %dma_start3A_45 = tpu.memref_slice %arg11[%rem3A_26] : memref<8x!tpu.dma_semaphore, #tpu.memory_space<semaphore_mem>> -> memref<1x!tpu.dma_semaphore, #tpu.memory_space<semaphore_mem>>
          %dma_start3A_46 = tpu.memref_squeeze %dma_start3A_45 : memref<1x!tpu.dma_semaphore, #tpu.memory_space<semaphore_mem>> -> memref<!tpu.dma_semaphore, #tpu.memory_space<semaphore_mem>>
          tpu.enqueue_indirect_dma source(%dma_start3A_44 : memref<20000x64xf32, #tpu.memory_space<hbm>>) target(%dma_start3A_38 : memref<100x64xf32, #tpu.memory_space<vmem>>) offsets(%dma_start3A_41 : memref<100xi32, #tpu.memory_space<vmem>>) semaphore(%dma_start3A_46 : memref<!tpu.dma_semaphore, #tpu.memory_space<semaphore_mem>>)
        } else {
        }
      }
      %scan3A_16 = arith.constant 108 : i32
      %barrier3A_17 = arith.constant 0 : index
      tpu.barrier barrier_id(%barrier3A_17)
      %mul3A_18 = arith.constant 640 : i32
      %mul3A_19 = arith.muli %arg1, %mul3A_18 : i32
      %mul3A_20 = arith.constant 2 : i32
      %mul3A_21 = arith.muli %arg0, %mul3A_20 : i32
      %add3A_22 = arith.addi %mul3A_21, %scan3A_6 : i32
      %mul3A_23 = arith.constant 640 : i32
      %mul3A_24 = arith.muli %arg1, %mul3A_23 : i32
      "tpu.region"() ({
        %run_scoped3A = tpu.sem_alloc : memref<!tpu.dma_semaphore, #tpu.memory_space<semaphore_mem>>
        %dma_start3A = arith.constant 0 : i32
        %dma_start3A_25 = arith.constant 0 : i32
        %dma_start3A_26 = tpu.memref_slice %arg6[%add3A_22, %dma_start3A, %dma_start3A_25] : memref<4x10240x64xf32, #tpu.memory_space<hbm>> -> memref<1x10240x64xf32, #tpu.memory_space<hbm>>
        %dma_start3A_27 = tpu.memref_squeeze %dma_start3A_26 : memref<1x10240x64xf32, #tpu.memory_space<hbm>> -> memref<10240x64xf32, #tpu.memory_space<hbm>>
        %dma_start3A_28 = arith.constant 0 : i32
        %dma_start3A_29 = tpu.memref_slice %dma_start3A_27[%mul3A_24, %dma_start3A_28] : memref<10240x64xf32, #tpu.memory_space<hbm>> -> memref<640x64xf32, #tpu.memory_space<hbm>>
        %dma_start3A_30 = arith.constant 0 : i32
        %dma_start3A_31 = tpu.memref_slice %arg10[%mul3A_19, %dma_start3A_30] : memref<10240x64xf32, #tpu.memory_space<vmem_shared>> -> memref<640x64xf32, #tpu.memory_space<vmem_shared>>
        tpu.enqueue_dma source(%dma_start3A_31 : memref<640x64xf32, #tpu.memory_space<vmem_shared>>) target(%dma_start3A_29 : memref<640x64xf32, #tpu.memory_space<hbm>>) target_semaphore(%run_scoped3A : memref<!tpu.dma_semaphore, #tpu.memory_space<semaphore_mem>>)
        %dma_wait3A = arith.constant 0 : i32
        %dma_wait3A_32 = arith.constant 0 : i32
        %dma_wait3A_33 = tpu.memref_slice %arg6[%add3A_22, %dma_wait3A, %dma_wait3A_32] : memref<4x10240x64xf32, #tpu.memory_space<hbm>> -> memref<1x10240x64xf32, #tpu.memory_space<hbm>>
        %dma_wait3A_34 = tpu.memref_squeeze %dma_wait3A_33 : memref<1x10240x64xf32, #tpu.memory_space<hbm>> -> memref<10240x64xf32, #tpu.memory_space<hbm>>
        %dma_wait3A_35 = arith.constant 0 : i32
        %dma_wait3A_36 = tpu.memref_slice %dma_wait3A_34[%mul3A_24, %dma_wait3A_35] : memref<10240x64xf32, #tpu.memory_space<hbm>> -> memref<640x64xf32, #tpu.memory_space<hbm>>
        %dma_wait3A_37 = arith.constant 0 : i32
        %dma_wait3A_38 = tpu.memref_slice %arg10[%mul3A_19, %dma_wait3A_37] : memref<10240x64xf32, #tpu.memory_space<vmem_shared>> -> memref<640x64xf32, #tpu.memory_space<vmem_shared>>
        tpu.wait_dma2 semaphore(%run_scoped3A : memref<!tpu.dma_semaphore, #tpu.memory_space<semaphore_mem>>) src(%dma_wait3A_38 : memref<640x64xf32, #tpu.memory_space<vmem_shared>>) dst(%dma_wait3A_36 : memref<640x64xf32, #tpu.memory_space<hbm>>)
        tpu.yield
      }) : () -> ()
    }
    %scan3A_5 = arith.constant 2 : i32
    return
  }
}

#map = affine_map<(d0, d1) -> (0, 0)>
#map1 = affine_map<(d0, d1) -> (0, 0, 0)>
module attributes {stable_mosaic.version = 14 : i64} {
  func.func @k(%arg0: i32, %arg1: i32, %arg2: memref<20000x64xf32, #tpu.memory_space<hbm>>, %arg3: memref<32x200x100xi32, #tpu.memory_space<hbm>>, %arg4: memref<32x100x100xi32, #tpu.memory_space<hbm>>, %arg5: memref<10240x64xf32, #tpu.memory_space<hbm>>, %arg6: memref<4x10240x64xf32, #tpu.memory_space<hbm>>, %arg7: memref<200x100xi32, #tpu.memory_space<vmem>>, %arg8: memref<100x100xi32, #tpu.memory_space<vmem>>, %arg9: memref<800x64xf32, #tpu.memory_space<vmem>>, %arg10: memref<10240x64xf32, #tpu.memory_space<vmem_shared>>, %arg11: memref<8x!tpu.dma_semaphore, #tpu.memory_space<semaphore_mem>>) attributes {dimension_semantics = [#tpu.dimension_semantics<core_parallel>, #tpu.dimension_semantics<subcore_parallel>], iteration_bounds = array<i64: 2, 16>, scalar_prefetch = 0 : i64, scratch_operands = 5 : i64, tpu.core_type = #tpu.core_type<sc_vector_subcore>, window_params = [{transform_indices = #map}, {transform_indices = #map1}, {transform_indices = #map1}, {transform_indices = #map}, {transform_indices = #map1}]} {
    %mul3A = arith.constant 16 : i32
    %mul3A_0 = arith.muli %arg0, %mul3A : i32
    %add3A = arith.addi %mul3A_0, %arg1 : i32
    "tpu.region"() ({
      %run_scoped3A = tpu.sem_alloc : memref<!tpu.dma_semaphore, #tpu.memory_space<semaphore_mem>>
      %dma_start3A = arith.constant 0 : i32
      %dma_start3A_6 = arith.constant 0 : i32
      %dma_start3A_7 = tpu.memref_slice %arg3[%add3A, %dma_start3A, %dma_start3A_6] : memref<32x200x100xi32, #tpu.memory_space<hbm>> -> memref<1x200x100xi32, #tpu.memory_space<hbm>>
      %dma_start3A_8 = tpu.memref_squeeze %dma_start3A_7 : memref<1x200x100xi32, #tpu.memory_space<hbm>> -> memref<200x100xi32, #tpu.memory_space<hbm>>
      %dma_start3A_9 = arith.constant 0 : i32
      %dma_start3A_10 = arith.constant 0 : i32
      %dma_start3A_11 = tpu.memref_slice %arg3[%add3A, %dma_start3A_9, %dma_start3A_10] : memref<32x200x100xi32, #tpu.memory_space<hbm>> -> memref<1x200x100xi32, #tpu.memory_space<hbm>>
      %dma_start3A_12 = tpu.memref_squeeze %dma_start3A_11 : memref<1x200x100xi32, #tpu.memory_space<hbm>> -> memref<200x100xi32, #tpu.memory_space<hbm>>
      tpu.enqueue_dma source(%dma_start3A_12 : memref<200x100xi32, #tpu.memory_space<hbm>>) target(%arg7 : memref<200x100xi32, #tpu.memory_space<vmem>>) target_semaphore(%run_scoped3A : memref<!tpu.dma_semaphore, #tpu.memory_space<semaphore_mem>>)
      %dma_wait3A = arith.constant 0 : i32
      %dma_wait3A_13 = arith.constant 0 : i32
      %dma_wait3A_14 = tpu.memref_slice %arg3[%add3A, %dma_wait3A, %dma_wait3A_13] : memref<32x200x100xi32, #tpu.memory_space<hbm>> -> memref<1x200x100xi32, #tpu.memory_space<hbm>>
      %dma_wait3A_15 = tpu.memref_squeeze %dma_wait3A_14 : memref<1x200x100xi32, #tpu.memory_space<hbm>> -> memref<200x100xi32, #tpu.memory_space<hbm>>
      %dma_wait3A_16 = arith.constant 0 : i32
      %dma_wait3A_17 = arith.constant 0 : i32
      %dma_wait3A_18 = tpu.memref_slice %arg3[%add3A, %dma_wait3A_16, %dma_wait3A_17] : memref<32x200x100xi32, #tpu.memory_space<hbm>> -> memref<1x200x100xi32, #tpu.memory_space<hbm>>
      %dma_wait3A_19 = tpu.memref_squeeze %dma_wait3A_18 : memref<1x200x100xi32, #tpu.memory_space<hbm>> -> memref<200x100xi32, #tpu.memory_space<hbm>>
      tpu.wait_dma2 semaphore(%run_scoped3A : memref<!tpu.dma_semaphore, #tpu.memory_space<semaphore_mem>>) src(%dma_wait3A_19 : memref<200x100xi32, #tpu.memory_space<hbm>>) dst(%arg7 : memref<200x100xi32, #tpu.memory_space<vmem>>)
      tpu.yield
    }) : () -> ()
    "tpu.region"() ({
      %run_scoped3A = tpu.sem_alloc : memref<!tpu.dma_semaphore, #tpu.memory_space<semaphore_mem>>
      %dma_start3A = arith.constant 0 : i32
      %dma_start3A_6 = arith.constant 0 : i32
      %dma_start3A_7 = tpu.memref_slice %arg4[%add3A, %dma_start3A, %dma_start3A_6] : memref<32x100x100xi32, #tpu.memory_space<hbm>> -> memref<1x100x100xi32, #tpu.memory_space<hbm>>
      %dma_start3A_8 = tpu.memref_squeeze %dma_start3A_7 : memref<1x100x100xi32, #tpu.memory_space<hbm>> -> memref<100x100xi32, #tpu.memory_space<hbm>>
      %dma_start3A_9 = arith.constant 0 : i32
      %dma_start3A_10 = arith.constant 0 : i32
      %dma_start3A_11 = tpu.memref_slice %arg4[%add3A, %dma_start3A_9, %dma_start3A_10] : memref<32x100x100xi32, #tpu.memory_space<hbm>> -> memref<1x100x100xi32, #tpu.memory_space<hbm>>
      %dma_start3A_12 = tpu.memref_squeeze %dma_start3A_11 : memref<1x100x100xi32, #tpu.memory_space<hbm>> -> memref<100x100xi32, #tpu.memory_space<hbm>>
      tpu.enqueue_dma source(%dma_start3A_12 : memref<100x100xi32, #tpu.memory_space<hbm>>) target(%arg8 : memref<100x100xi32, #tpu.memory_space<vmem>>) target_semaphore(%run_scoped3A : memref<!tpu.dma_semaphore, #tpu.memory_space<semaphore_mem>>)
      %dma_wait3A = arith.constant 0 : i32
      %dma_wait3A_13 = arith.constant 0 : i32
      %dma_wait3A_14 = tpu.memref_slice %arg4[%add3A, %dma_wait3A, %dma_wait3A_13] : memref<32x100x100xi32, #tpu.memory_space<hbm>> -> memref<1x100x100xi32, #tpu.memory_space<hbm>>
      %dma_wait3A_15 = tpu.memref_squeeze %dma_wait3A_14 : memref<1x100x100xi32, #tpu.memory_space<hbm>> -> memref<100x100xi32, #tpu.memory_space<hbm>>
      %dma_wait3A_16 = arith.constant 0 : i32
      %dma_wait3A_17 = arith.constant 0 : i32
      %dma_wait3A_18 = tpu.memref_slice %arg4[%add3A, %dma_wait3A_16, %dma_wait3A_17] : memref<32x100x100xi32, #tpu.memory_space<hbm>> -> memref<1x100x100xi32, #tpu.memory_space<hbm>>
      %dma_wait3A_19 = tpu.memref_squeeze %dma_wait3A_18 : memref<1x100x100xi32, #tpu.memory_space<hbm>> -> memref<100x100xi32, #tpu.memory_space<hbm>>
      tpu.wait_dma2 semaphore(%run_scoped3A : memref<!tpu.dma_semaphore, #tpu.memory_space<semaphore_mem>>) src(%dma_wait3A_19 : memref<100x100xi32, #tpu.memory_space<hbm>>) dst(%arg8 : memref<100x100xi32, #tpu.memory_space<vmem>>)
      tpu.yield
    }) : () -> ()
    %scan3A = arith.constant 0 : i32
    %scan3A_1 = arith.constant 0 : i32
    %scan3A_2 = arith.constant 2 : i32
    %scan3A_3 = arith.addi %scan3A_1, %scan3A_2 : i32
    %scan3A_4 = arith.constant 1 : i32
    scf.for %scan3A_6 = %scan3A_1 to %scan3A_3 step %scan3A_4  : i32 {
      %mul3A_7 = arith.constant 640 : i32
      %mul3A_8 = arith.muli %arg1, %mul3A_7 : i32
      %mul3A_9 = arith.constant 640 : i32
      %mul3A_10 = arith.muli %arg1, %mul3A_9 : i32
      "tpu.region"() ({
        %run_scoped3A = tpu.sem_alloc : memref<!tpu.dma_semaphore, #tpu.memory_space<semaphore_mem>>
        %dma_start3A = arith.constant 0 : i32
        %dma_start3A_25 = tpu.memref_slice %arg10[%mul3A_10, %dma_start3A] : memref<10240x64xf32, #tpu.memory_space<vmem_shared>> -> memref<640x64xf32, #tpu.memory_space<vmem_shared>>
        %dma_start3A_26 = arith.constant 0 : i32
        %dma_start3A_27 = tpu.memref_slice %arg5[%mul3A_8, %dma_start3A_26] : memref<10240x64xf32, #tpu.memory_space<hbm>> -> memref<640x64xf32, #tpu.memory_space<hbm>>
        tpu.enqueue_dma source(%dma_start3A_27 : memref<640x64xf32, #tpu.memory_space<hbm>>) target(%dma_start3A_25 : memref<640x64xf32, #tpu.memory_space<vmem_shared>>) target_semaphore(%run_scoped3A : memref<!tpu.dma_semaphore, #tpu.memory_space<semaphore_mem>>)
        %dma_wait3A = arith.constant 0 : i32
        %dma_wait3A_28 = tpu.memref_slice %arg10[%mul3A_10, %dma_wait3A] : memref<10240x64xf32, #tpu.memory_space<vmem_shared>> -> memref<640x64xf32, #tpu.memory_space<vmem_shared>>
        %dma_wait3A_29 = arith.constant 0 : i32
        %dma_wait3A_30 = tpu.memref_slice %arg5[%mul3A_8, %dma_wait3A_29] : memref<10240x64xf32, #tpu.memory_space<hbm>> -> memref<640x64xf32, #tpu.memory_space<hbm>>
        tpu.wait_dma2 semaphore(%run_scoped3A : memref<!tpu.dma_semaphore, #tpu.memory_space<semaphore_mem>>) src(%dma_wait3A_30 : memref<640x64xf32, #tpu.memory_space<hbm>>) dst(%dma_wait3A_28 : memref<640x64xf32, #tpu.memory_space<vmem_shared>>)
        tpu.yield
      }) : () -> ()
      %barrier3A = arith.constant 0 : index
      tpu.barrier barrier_id(%barrier3A)
      %scan3A_11 = arith.constant 0 : i32
      %scan3A_12 = arith.constant 0 : i32
      %scan3A_13 = arith.constant 108 : i32
      %scan3A_14 = arith.addi %scan3A_12, %scan3A_13 : i32
      %scan3A_15 = arith.constant 1 : i32
      scf.for %scan3A_25 = %scan3A_12 to %scan3A_14 step %scan3A_15  : i32 {
        %rem3A = arith.constant 8 : i32
        %rem3A_26 = arith.remsi %scan3A_25, %rem3A : i32
        %ge3A = arith.constant 8 : i32
        %ge3A_27 = arith.cmpi sge, %scan3A_25, %ge3A : i32
        %convert_element_type3A = arith.extui %ge3A_27 : i1 to i32
        %cond3A = arith.constant 0 : i32
        %cond3A_28 = arith.cmpi ne, %convert_element_type3A, %cond3A : i32
        scf.if %cond3A_28 {
          %dma_wait3A = arith.constant 0 : i32
          %dma_wait3A_33 = arith.constant 0 : i32
          %dma_wait3A_34 = tpu.memref_slice %arg9[%dma_wait3A, %dma_wait3A_33] : memref<800x64xf32, #tpu.memory_space<vmem>> -> memref<100x64xf32, #tpu.memory_space<vmem>>
          %dma_wait3A_35 = arith.constant 0 : i32
          %dma_wait3A_36 = arith.constant 0 : i32
          %dma_wait3A_37 = tpu.memref_slice %arg2[%dma_wait3A_35, %dma_wait3A_36] : memref<20000x64xf32, #tpu.memory_space<hbm>> -> memref<100x64xf32, #tpu.memory_space<hbm>>
          %dma_wait3A_38 = tpu.memref_slice %arg11[%rem3A_26] : memref<8x!tpu.dma_semaphore, #tpu.memory_space<semaphore_mem>> -> memref<1x!tpu.dma_semaphore, #tpu.memory_space<semaphore_mem>>
          %dma_wait3A_39 = tpu.memref_squeeze %dma_wait3A_38 : memref<1x!tpu.dma_semaphore, #tpu.memory_space<semaphore_mem>> -> memref<!tpu.dma_semaphore, #tpu.memory_space<semaphore_mem>>
          %dma_wait3A_40 = arith.constant 0 : i32
          %dma_wait3A_41 = arith.constant 0 : i32
          %dma_wait3A_42 = tpu.memref_slice %arg9[%dma_wait3A_40, %dma_wait3A_41] : memref<800x64xf32, #tpu.memory_space<vmem>> -> memref<100x64xf32, #tpu.memory_space<vmem>>
          %dma_wait3A_43 = arith.constant 0 : i32
          %dma_wait3A_44 = arith.constant 0 : i32
          %dma_wait3A_45 = tpu.memref_slice %arg2[%dma_wait3A_43, %dma_wait3A_44] : memref<20000x64xf32, #tpu.memory_space<hbm>> -> memref<100x64xf32, #tpu.memory_space<hbm>>
          tpu.wait_dma2 semaphore(%dma_wait3A_39 : memref<!tpu.dma_semaphore, #tpu.memory_space<semaphore_mem>>) src(%dma_wait3A_45 : memref<100x64xf32, #tpu.memory_space<hbm>>) dst(%dma_wait3A_42 : memref<100x64xf32, #tpu.memory_space<vmem>>)
          %mul3A_46 = arith.constant 100 : i32
          %mul3A_47 = arith.muli %rem3A_26, %mul3A_46 : i32
          %sub3A = arith.constant 8 : i32
          %sub3A_48 = arith.subi %scan3A_25, %sub3A : i32
          "tpu.region"() ({
            %run_scoped3A = tpu.sem_alloc : memref<!tpu.dma_semaphore, #tpu.memory_space<semaphore_mem>>
            %dma_start3A = arith.constant 0 : i32
            %dma_start3A_49 = tpu.memref_slice %arg9[%mul3A_47, %dma_start3A] : memref<800x64xf32, #tpu.memory_space<vmem>> -> memref<100x64xf32, #tpu.memory_space<vmem>>
            %dma_start3A_50 = arith.constant 0 : i32
            %dma_start3A_51 = tpu.memref_slice %arg8[%sub3A_48, %dma_start3A_50] : memref<100x100xi32, #tpu.memory_space<vmem>> -> memref<1x100xi32, #tpu.memory_space<vmem>>
            %dma_start3A_52 = tpu.memref_squeeze %dma_start3A_51 : memref<1x100xi32, #tpu.memory_space<vmem>> -> memref<100xi32, #tpu.memory_space<vmem>>
            %dma_start3A_53 = arith.constant 0 : i32
            %dma_start3A_54 = arith.constant 0 : i32
            %dma_start3A_55 = tpu.memref_slice %arg10[%dma_start3A_53, %dma_start3A_54] : memref<10240x64xf32, #tpu.memory_space<vmem_shared>> -> memref<10240x64xf32, #tpu.memory_space<vmem_shared>>
            tpu.enqueue_indirect_dma source(%dma_start3A_49 : memref<100x64xf32, #tpu.memory_space<vmem>>) target(%dma_start3A_55 : memref<10240x64xf32, #tpu.memory_space<vmem_shared>>) offsets(%dma_start3A_52 : memref<100xi32, #tpu.memory_space<vmem>>) semaphore(%run_scoped3A : memref<!tpu.dma_semaphore, #tpu.memory_space<semaphore_mem>>) {add = true}
            %dma_wait3A_56 = arith.constant 0 : i32
            %dma_wait3A_57 = tpu.memref_slice %arg9[%mul3A_47, %dma_wait3A_56] : memref<800x64xf32, #tpu.memory_space<vmem>> -> memref<100x64xf32, #tpu.memory_space<vmem>>
            %dma_wait3A_58 = arith.constant 0 : i32
            %dma_wait3A_59 = tpu.memref_slice %arg8[%sub3A_48, %dma_wait3A_58] : memref<100x100xi32, #tpu.memory_space<vmem>> -> memref<1x100xi32, #tpu.memory_space<vmem>>
            %dma_wait3A_60 = tpu.memref_squeeze %dma_wait3A_59 : memref<1x100xi32, #tpu.memory_space<vmem>> -> memref<100xi32, #tpu.memory_space<vmem>>
            %dma_wait3A_61 = arith.constant 0 : i32
            %dma_wait3A_62 = arith.constant 0 : i32
            %dma_wait3A_63 = tpu.memref_slice %arg10[%dma_wait3A_61, %dma_wait3A_62] : memref<10240x64xf32, #tpu.memory_space<vmem_shared>> -> memref<10240x64xf32, #tpu.memory_space<vmem_shared>>
            tpu.wait_indirect_dma semaphore(%run_scoped3A : memref<!tpu.dma_semaphore, #tpu.memory_space<semaphore_mem>>) src(%dma_wait3A_57 : memref<100x64xf32, #tpu.memory_space<vmem>>) dst(%dma_wait3A_63 : memref<10240x64xf32, #tpu.memory_space<vmem_shared>>)
            tpu.yield
          }) : () -> ()
        } else {
        }
        %lt3A = arith.constant 100 : i32
        %lt3A_29 = arith.cmpi slt, %scan3A_25, %lt3A : i32
        %convert_element_type3A_30 = arith.extui %lt3A_29 : i1 to i32
        %cond3A_31 = arith.constant 0 : i32
        %cond3A_32 = arith.cmpi ne, %convert_element_type3A_30, %cond3A_31 : i32
        scf.if %cond3A_32 {
          %mul3A_33 = arith.constant 100 : i32
          %mul3A_34 = arith.muli %scan3A_6, %mul3A_33 : i32
          %add3A_35 = arith.addi %mul3A_34, %scan3A_25 : i32
          %mul3A_36 = arith.constant 100 : i32
          %mul3A_37 = arith.muli %rem3A_26, %mul3A_36 : i32
          %dma_start3A = arith.constant 0 : i32
          %dma_start3A_38 = tpu.memref_slice %arg9[%mul3A_37, %dma_start3A] : memref<800x64xf32, #tpu.memory_space<vmem>> -> memref<100x64xf32, #tpu.memory_space<vmem>>
          %dma_start3A_39 = arith.constant 0 : i32
          %dma_start3A_40 = tpu.memref_slice %arg7[%add3A_35, %dma_start3A_39] : memref<200x100xi32, #tpu.memory_space<vmem>> -> memref<1x100xi32, #tpu.memory_space<vmem>>
          %dma_start3A_41 = tpu.memref_squeeze %dma_start3A_40 : memref<1x100xi32, #tpu.memory_space<vmem>> -> memref<100xi32, #tpu.memory_space<vmem>>
          %dma_start3A_42 = arith.constant 0 : i32
          %dma_start3A_43 = arith.constant 0 : i32
          %dma_start3A_44 = tpu.memref_slice %arg2[%dma_start3A_42, %dma_start3A_43] : memref<20000x64xf32, #tpu.memory_space<hbm>> -> memref<20000x64xf32, #tpu.memory_space<hbm>>
          %dma_start3A_45 = tpu.memref_slice %arg11[%rem3A_26] : memref<8x!tpu.dma_semaphore, #tpu.memory_space<semaphore_mem>> -> memref<1x!tpu.dma_semaphore, #tpu.memory_space<semaphore_mem>>
          %dma_start3A_46 = tpu.memref_squeeze %dma_start3A_45 : memref<1x!tpu.dma_semaphore, #tpu.memory_space<semaphore_mem>> -> memref<!tpu.dma_semaphore, #tpu.memory_space<semaphore_mem>>
          tpu.enqueue_indirect_dma source(%dma_start3A_44 : memref<20000x64xf32, #tpu.memory_space<hbm>>) target(%dma_start3A_38 : memref<100x64xf32, #tpu.memory_space<vmem>>) offsets(%dma_start3A_41 : memref<100xi32, #tpu.memory_space<vmem>>) semaphore(%dma_start3A_46 : memref<!tpu.dma_semaphore, #tpu.memory_space<semaphore_mem>>)
        } else {
        }
      }
      %scan3A_16 = arith.constant 108 : i32
      %barrier3A_17 = arith.constant 0 : index
      tpu.barrier barrier_id(%barrier3A_17)
      %mul3A_18 = arith.constant 640 : i32
      %mul3A_19 = arith.muli %arg1, %mul3A_18 : i32
      %mul3A_20 = arith.constant 2 : i32
      %mul3A_21 = arith.muli %arg0, %mul3A_20 : i32
      %add3A_22 = arith.addi %mul3A_21, %scan3A_6 : i32
      %mul3A_23 = arith.constant 640 : i32
      %mul3A_24 = arith.muli %arg1, %mul3A_23 : i32
      "tpu.region"() ({
        %run_scoped3A = tpu.sem_alloc : memref<!tpu.dma_semaphore, #tpu.memory_space<semaphore_mem>>
        %dma_start3A = arith.constant 0 : i32
        %dma_start3A_25 = arith.constant 0 : i32
        %dma_start3A_26 = tpu.memref_slice %arg6[%add3A_22, %dma_start3A, %dma_start3A_25] : memref<4x10240x64xf32, #tpu.memory_space<hbm>> -> memref<1x10240x64xf32, #tpu.memory_space<hbm>>
        %dma_start3A_27 = tpu.memref_squeeze %dma_start3A_26 : memref<1x10240x64xf32, #tpu.memory_space<hbm>> -> memref<10240x64xf32, #tpu.memory_space<hbm>>
        %dma_start3A_28 = arith.constant 0 : i32
        %dma_start3A_29 = tpu.memref_slice %dma_start3A_27[%mul3A_24, %dma_start3A_28] : memref<10240x64xf32, #tpu.memory_space<hbm>> -> memref<640x64xf32, #tpu.memory_space<hbm>>
        %dma_start3A_30 = arith.constant 0 : i32
        %dma_start3A_31 = tpu.memref_slice %arg10[%mul3A_19, %dma_start3A_30] : memref<10240x64xf32, #tpu.memory_space<vmem_shared>> -> memref<640x64xf32, #tpu.memory_space<vmem_shared>>
        tpu.enqueue_dma source(%dma_start3A_31 : memref<640x64xf32, #tpu.memory_space<vmem_shared>>) target(%dma_start3A_29 : memref<640x64xf32, #tpu.memory_space<hbm>>) target_semaphore(%run_scoped3A : memref<!tpu.dma_semaphore, #tpu.memory_space<semaphore_mem>>)
        %dma_wait3A = arith.constant 0 : i32
        %dma_wait3A_32 = arith.constant 0 : i32
        %dma_wait3A_33 = tpu.memref_slice %arg6[%add3A_22, %dma_wait3A, %dma_wait3A_32] : memref<4x10240x64xf32, #tpu.memory_space<hbm>> -> memref<1x10240x64xf32, #tpu.memory_space<hbm>>
        %dma_wait3A_34 = tpu.memref_squeeze %dma_wait3A_33 : memref<1x10240x64xf32, #tpu.memory_space<hbm>> -> memref<10240x64xf32, #tpu.memory_space<hbm>>
        %dma_wait3A_35 = arith.constant 0 : i32
        %dma_wait3A_36 = tpu.memref_slice %dma_wait3A_34[%mul3A_24, %dma_wait3A_35] : memref<10240x64xf32, #tpu.memory_space<hbm>> -> memref<640x64xf32, #tpu.memory_space<hbm>>
        %dma_wait3A_37 = arith.constant 0 : i32
        %dma_wait3A_38 = tpu.memref_slice %arg10[%mul3A_19, %dma_wait3A_37] : memref<10240x64xf32, #tpu.memory_space<vmem_shared>> -> memref<640x64xf32, #tpu.memory_space<vmem_shared>>
        tpu.wait_dma2 semaphore(%run_scoped3A : memref<!tpu.dma_semaphore, #tpu.memory_space<semaphore_mem>>) src(%dma_wait3A_38 : memref<640x64xf32, #tpu.memory_space<vmem_shared>>) dst(%dma_wait3A_36 : memref<640x64xf32, #tpu.memory_space<hbm>>)
        tpu.yield
      }) : () -> ()
    }
    %scan3A_5 = arith.constant 2 : i32
    return
  }
}

module attributes {stable_mosaic.version = 14 : i64} {
  func.func @body(%arg0: i32, %arg1: memref<1000x128xf32, #tpu.memory_space<vmem>>, %arg2: memref<128x128xf32, #tpu.memory_space<vmem>>, %arg3: memref<1x128xf32, #tpu.memory_space<vmem>>, %arg4: memref<1000x128xf32, #tpu.memory_space<vmem>>) attributes {dimension_semantics = [#tpu.dimension_semantics<arbitrary>], iteration_bounds = array<i64: 10>, scalar_prefetch = 0 : i64, scratch_operands = 0 : i64, tpu.core_type = #tpu.core_type<tc>, window_params = [{transform_indices = @transform_0, window_bounds = array<i64: 1000, 128>}, {pipeline_mode = #tpu.pipeline_mode<synchronous>, transform_indices = @transform_1, window_bounds = array<i64: 128, 128>}, {pipeline_mode = #tpu.pipeline_mode<synchronous>, transform_indices = @transform_2, window_bounds = array<i64: 1, 128>}, {transform_indices = @transform_3, window_bounds = array<i64: 1000, 128>}]} {
    %get3A = arith.constant 0 : index
    %get3A_0 = arith.constant 0 : index
    %get3A_1 = vector.load %arg1[%get3A, %get3A_0] : memref<1000x128xf32, #tpu.memory_space<vmem>>, vector<1000x128xf32>
    %get3A_2 = arith.constant 0 : index
    %get3A_3 = arith.constant 0 : index
    %get3A_4 = vector.load %arg2[%get3A_2, %get3A_3] : memref<128x128xf32, #tpu.memory_space<vmem>>, vector<128x128xf32>
    %dot_general3A = arith.constant dense<0.000000e+00> : vector<1000x128xf32>
    %dot_general3A_5 = tpu.matmul %get3A_1, %get3A_4, %dot_general3A {dimension_numbers = #tpu.dot_dimension_numbers<[1], [0], [0], [1], [0, 0, 1, 1], [], []>, transpose_lhs_hint = false} : vector<1000x128xf32>, vector<128x128xf32>, vector<1000x128xf32> -> vector<1000x128xf32>
    %get3A_6 = arith.constant 0 : index
    %get3A_7 = arith.constant 0 : index
    %get3A_8 = vector.load %arg3[%get3A_6, %get3A_7] : memref<1x128xf32, #tpu.memory_space<vmem>>, vector<1x128xf32>
    %add3A = vector.broadcast %get3A_8 : vector<1x128xf32> to vector<1000x128xf32>
    %add3A_9 = arith.addf %dot_general3A_5, %add3A : vector<1000x128xf32>
    %swap3A = arith.constant 0 : index
    %swap3A_10 = arith.constant 0 : index
    %swap3A_11 = vector.load %arg4[%swap3A, %swap3A_10] : memref<1000x128xf32, #tpu.memory_space<vmem>>, vector<1000x128xf32>
    tpu.vector_store %arg4[%swap3A, %swap3A_10], %add3A_9 {strides = array<i32>} : memref<1000x128xf32, #tpu.memory_space<vmem>>, vector<1000x128xf32>,
    return
  }
  func.func @transform_0(%arg0: i32) -> (i32, i32) {
    %c0_i32 = arith.constant 0 : i32
    %c0_i32_0 = arith.constant 0 : i32
    return %arg0, %c0_i32 : i32, i32
  }
  func.func @transform_1(%arg0: i32) -> (i32, i32) {
    %c0_i32 = arith.constant 0 : i32
    %c0_i32_0 = arith.constant 0 : i32
    %c0_i32_1 = arith.constant 0 : i32
    return %c0_i32, %c0_i32_0 : i32, i32
  }
  func.func @transform_2(%arg0: i32) -> (i32, i32) {
    %c0_i32 = arith.constant 0 : i32
    %c0_i32_0 = arith.constant 0 : i32
    %c0_i32_1 = arith.constant 0 : i32
    return %c0_i32, %c0_i32_0 : i32, i32
  }
  func.func @transform_3(%arg0: i32) -> (i32, i32) {
    %c0_i32 = arith.constant 0 : i32
    %c0_i32_0 = arith.constant 0 : i32
    return %arg0, %c0_i32 : i32, i32
  }
}

module attributes {stable_mosaic.version = 14 : i64} {
  func.func @body(%arg0: i32, %arg1: memref<1000x128xf32, #tpu.memory_space<vmem>>, %arg2: memref<128x128xf32, #tpu.memory_space<vmem>>, %arg3: memref<1x128xf32, #tpu.memory_space<vmem>>, %arg4: memref<128x128xf32, #tpu.memory_space<vmem>>, %arg5: memref<1x128xf32, #tpu.memory_space<vmem>>, %arg6: memref<1000x128xf32, #tpu.memory_space<vmem>>) attributes {dimension_semantics = [#tpu.dimension_semantics<arbitrary>], iteration_bounds = array<i64: 10>, scalar_prefetch = 0 : i64, scratch_operands = 0 : i64, tpu.core_type = #tpu.core_type<tc>, window_params = [{transform_indices = @transform_0, window_bounds = array<i64: 1000, 128>}, {pipeline_mode = #tpu.pipeline_mode<synchronous>, transform_indices = @transform_1, window_bounds = array<i64: 128, 128>}, {pipeline_mode = #tpu.pipeline_mode<synchronous>, transform_indices = @transform_2, window_bounds = array<i64: 1, 128>}, {pipeline_mode = #tpu.pipeline_mode<synchronous>, transform_indices = @transform_3, window_bounds = array<i64: 128, 128>}, {pipeline_mode = #tpu.pipeline_mode<synchronous>, transform_indices = @transform_4, window_bounds = array<i64: 1, 128>}, {transform_indices = @transform_5, window_bounds = array<i64: 1000, 128>}]} {
    %get3A = arith.constant 0 : index
    %get3A_0 = arith.constant 0 : index
    %get3A_1 = vector.load %arg1[%get3A, %get3A_0] : memref<1000x128xf32, #tpu.memory_space<vmem>>, vector<1000x128xf32>
    %get3A_2 = arith.constant 0 : index
    %get3A_3 = arith.constant 0 : index
    %get3A_4 = vector.load %arg2[%get3A_2, %get3A_3] : memref<128x128xf32, #tpu.memory_space<vmem>>, vector<128x128xf32>
    %dot_general3A = arith.constant dense<0.000000e+00> : vector<1000x128xf32>
    %dot_general3A_5 = tpu.matmul %get3A_1, %get3A_4, %dot_general3A {dimension_numbers = #tpu.dot_dimension_numbers<[1], [0], [0], [1], [0, 0, 1, 1], [], []>, transpose_lhs_hint = false} : vector<1000x128xf32>, vector<128x128xf32>, vector<1000x128xf32> -> vector<1000x128xf32>
    %get3A_6 = arith.constant 0 : index
    %get3A_7 = arith.constant 0 : index
    %get3A_8 = vector.load %arg3[%get3A_6, %get3A_7] : memref<1x128xf32, #tpu.memory_space<vmem>>, vector<1x128xf32>
    %add3A = vector.broadcast %get3A_8 : vector<1x128xf32> to vector<1000x128xf32>
    %add3A_9 = arith.addf %dot_general3A_5, %add3A : vector<1000x128xf32>
    %get3A_10 = arith.constant 0 : index
    %get3A_11 = arith.constant 0 : index
    %get3A_12 = vector.load %arg4[%get3A_10, %get3A_11] : memref<128x128xf32, #tpu.memory_space<vmem>>, vector<128x128xf32>
    %dot_general3A_13 = arith.constant dense<0.000000e+00> : vector<1000x128xf32>
    %dot_general3A_14 = tpu.matmul %add3A_9, %get3A_12, %dot_general3A_13 {dimension_numbers = #tpu.dot_dimension_numbers<[1], [0], [0], [1], [0, 0, 1, 1], [], []>, transpose_lhs_hint = false} : vector<1000x128xf32>, vector<128x128xf32>, vector<1000x128xf32> -> vector<1000x128xf32>
    %get3A_15 = arith.constant 0 : index
    %get3A_16 = arith.constant 0 : index
    %get3A_17 = vector.load %arg5[%get3A_15, %get3A_16] : memref<1x128xf32, #tpu.memory_space<vmem>>, vector<1x128xf32>
    %add3A_18 = vector.broadcast %get3A_17 : vector<1x128xf32> to vector<1000x128xf32>
    %add3A_19 = arith.addf %dot_general3A_14, %add3A_18 : vector<1000x128xf32>
    %swap3A = arith.constant 0 : index
    %swap3A_20 = arith.constant 0 : index
    %swap3A_21 = vector.load %arg6[%swap3A, %swap3A_20] : memref<1000x128xf32, #tpu.memory_space<vmem>>, vector<1000x128xf32>
    tpu.vector_store %arg6[%swap3A, %swap3A_20], %add3A_19 {strides = array<i32>} : memref<1000x128xf32, #tpu.memory_space<vmem>>, vector<1000x128xf32>,
    return
  }
  func.func @transform_0(%arg0: i32) -> (i32, i32) {
    %c0_i32 = arith.constant 0 : i32
    %c0_i32_0 = arith.constant 0 : i32
    return %arg0, %c0_i32 : i32, i32
  }
  func.func @transform_1(%arg0: i32) -> (i32, i32) {
    %c0_i32 = arith.constant 0 : i32
    %c0_i32_0 = arith.constant 0 : i32
    %c0_i32_1 = arith.constant 0 : i32
    return %c0_i32, %c0_i32_0 : i32, i32
  }
  func.func @transform_2(%arg0: i32) -> (i32, i32) {
    %c0_i32 = arith.constant 0 : i32
    %c0_i32_0 = arith.constant 0 : i32
    %c0_i32_1 = arith.constant 0 : i32
    return %c0_i32, %c0_i32_0 : i32, i32
  }
  func.func @transform_3(%arg0: i32) -> (i32, i32) {
    %c0_i32 = arith.constant 0 : i32
    %c0_i32_0 = arith.constant 0 : i32
    %c0_i32_1 = arith.constant 0 : i32
    return %c0_i32, %c0_i32_0 : i32, i32
  }
  func.func @transform_4(%arg0: i32) -> (i32, i32) {
    %c0_i32 = arith.constant 0 : i32
    %c0_i32_0 = arith.constant 0 : i32
    %c0_i32_1 = arith.constant 0 : i32
    return %c0_i32, %c0_i32_0 : i32, i32
  }
  func.func @transform_5(%arg0: i32) -> (i32, i32) {
    %c0_i32 = arith.constant 0 : i32
    %c0_i32_0 = arith.constant 0 : i32
    return %arg0, %c0_i32 : i32, i32
  }
}

module attributes {stable_mosaic.version = 14 : i64} {
  func.func @body(%arg0: i32, %arg1: memref<1000x128xf32, #tpu.memory_space<vmem>>, %arg2: memref<4x1000x64xf32, #tpu.memory_space<vmem>>, %arg3: memref<128x128xf32, #tpu.memory_space<vmem>>, %arg4: memref<128x128xf32, #tpu.memory_space<vmem>>, %arg5: memref<1000x128xf32, #tpu.memory_space<vmem>>) attributes {dimension_semantics = [#tpu.dimension_semantics<arbitrary>], iteration_bounds = array<i64: 10>, scalar_prefetch = 0 : i64, scratch_operands = 0 : i64, tpu.core_type = #tpu.core_type<tc>, window_params = [{transform_indices = @transform_0, window_bounds = array<i64: 1000, 128>}, {transform_indices = @transform_1, window_bounds = array<i64: 4, 1000, 64>}, {pipeline_mode = #tpu.pipeline_mode<synchronous>, transform_indices = @transform_2, window_bounds = array<i64: 128, 128>}, {pipeline_mode = #tpu.pipeline_mode<synchronous>, transform_indices = @transform_3, window_bounds = array<i64: 128, 128>}, {transform_indices = @transform_4, window_bounds = array<i64: 1000, 128>}]} {
    %get3A = arith.constant 0 : index
    %get3A_0 = arith.constant 0 : index
    %get3A_1 = vector.load %arg3[%get3A, %get3A_0] : memref<128x128xf32, #tpu.memory_space<vmem>>, vector<128x128xf32>
    %get3A_2 = arith.constant 0 : index
    %get3A_3 = arith.constant 0 : index
    %get3A_4 = vector.load %arg4[%get3A_2, %get3A_3] : memref<128x128xf32, #tpu.memory_space<vmem>>, vector<128x128xf32>
    %dot_general3A = arith.constant dense<0.000000e+00> : vector<128x128xf32>
    %dot_general3A_5 = tpu.matmul %get3A_1, %get3A_4, %dot_general3A {dimension_numbers = #tpu.dot_dimension_numbers<[1], [0], [0], [1], [0, 0, 1, 1], [], []>, transpose_lhs_hint = false} : vector<128x128xf32>, vector<128x128xf32>, vector<128x128xf32> -> vector<128x128xf32>
    %get3A_6 = arith.constant 0 : index
    %get3A_7 = arith.constant 0 : index
    %get3A_8 = arith.constant 0 : index
    %get3A_9 = vector.load %arg2[%get3A_6, %get3A_7, %get3A_8] : memref<4x1000x64xf32, #tpu.memory_space<vmem>>, vector<1x1000x64xf32>
    %get3A_10 = vector.shape_cast %get3A_9 : vector<1x1000x64xf32> to vector<1000x64xf32>
    %get3A_11 = arith.constant 2 : index
    %get3A_12 = arith.constant 0 : index
    %get3A_13 = arith.constant 0 : index
    %get3A_14 = vector.load %arg2[%get3A_11, %get3A_12, %get3A_13] : memref<4x1000x64xf32, #tpu.memory_space<vmem>>, vector<1x1000x64xf32>
    %get3A_15 = vector.shape_cast %get3A_14 : vector<1x1000x64xf32> to vector<1000x64xf32>
    %add3A = arith.addf %get3A_10, %get3A_15 : vector<1000x64xf32>
    %get3A_16 = arith.constant 1 : index
    %get3A_17 = arith.constant 0 : index
    %get3A_18 = arith.constant 0 : index
    %get3A_19 = vector.load %arg2[%get3A_16, %get3A_17, %get3A_18] : memref<4x1000x64xf32, #tpu.memory_space<vmem>>, vector<1x1000x64xf32>
    %get3A_20 = vector.shape_cast %get3A_19 : vector<1x1000x64xf32> to vector<1000x64xf32>
    %get3A_21 = arith.constant 3 : index
    %get3A_22 = arith.constant 0 : index
    %get3A_23 = arith.constant 0 : index
    %get3A_24 = vector.load %arg2[%get3A_21, %get3A_22, %get3A_23] : memref<4x1000x64xf32, #tpu.memory_space<vmem>>, vector<1x1000x64xf32>
    %get3A_25 = vector.shape_cast %get3A_24 : vector<1x1000x64xf32> to vector<1000x64xf32>
    %add3A_26 = arith.addf %get3A_20, %get3A_25 : vector<1000x64xf32>
    %get3A_27 = arith.constant 0 : index
    %get3A_28 = arith.constant 0 : index
    %get3A_29 = vector.load %arg1[%get3A_27, %get3A_28] : memref<1000x128xf32, #tpu.memory_space<vmem>>, vector<1000x128xf32>
    %slice3A = vector.extract_strided_slice %dot_general3A_5 {offsets = [0, 0], sizes = [64, 128], strides = [1, 1]} : vector<128x128xf32> to vector<64x128xf32>
    %dot_general3A_30 = arith.constant dense<0.000000e+00> : vector<1000x128xf32>
    %dot_general3A_31 = tpu.matmul %add3A, %slice3A, %dot_general3A_30 {dimension_numbers = #tpu.dot_dimension_numbers<[1], [0], [0], [1], [0, 0, 1, 1], [], []>, transpose_lhs_hint = false} : vector<1000x64xf32>, vector<64x128xf32>, vector<1000x128xf32> -> vector<1000x128xf32>
    %add3A_32 = arith.addf %get3A_29, %dot_general3A_31 : vector<1000x128xf32>
    %slice3A_33 = vector.extract_strided_slice %dot_general3A_5 {offsets = [64, 0], sizes = [64, 128], strides = [1, 1]} : vector<128x128xf32> to vector<64x128xf32>
    %dot_general3A_34 = arith.constant dense<0.000000e+00> : vector<1000x128xf32>
    %dot_general3A_35 = tpu.matmul %add3A_26, %slice3A_33, %dot_general3A_34 {dimension_numbers = #tpu.dot_dimension_numbers<[1], [0], [0], [1], [0, 0, 1, 1], [], []>, transpose_lhs_hint = false} : vector<1000x64xf32>, vector<64x128xf32>, vector<1000x128xf32> -> vector<1000x128xf32>
    %add3A_36 = arith.addf %add3A_32, %dot_general3A_35 : vector<1000x128xf32>
    %max3A = arith.constant 0.000000e+00 : f32
    %max3A_37 = vector.broadcast %max3A : f32 to vector<1000x128xf32>
    %max3A_38 = arith.maximumf %add3A_36, %max3A_37 : vector<1000x128xf32>
    %swap3A = arith.constant 0 : index
    %swap3A_39 = arith.constant 0 : index
    %swap3A_40 = vector.load %arg5[%swap3A, %swap3A_39] : memref<1000x128xf32, #tpu.memory_space<vmem>>, vector<1000x128xf32>
    tpu.vector_store %arg5[%swap3A, %swap3A_39], %max3A_38 {strides = array<i32>} : memref<1000x128xf32, #tpu.memory_space<vmem>>, vector<1000x128xf32>,
    return
  }
  func.func @transform_0(%arg0: i32) -> (i32, i32) {
    %c0_i32 = arith.constant 0 : i32
    %c0_i32_0 = arith.constant 0 : i32
    return %arg0, %c0_i32 : i32, i32
  }
  func.func @transform_1(%arg0: i32) -> (i32, i32, i32) {
    %c0_i32 = arith.constant 0 : i32
    %c0_i32_0 = arith.constant 0 : i32
    %c0_i32_1 = arith.constant 0 : i32
    return %c0_i32, %arg0, %c0_i32_0 : i32, i32, i32
  }
  func.func @transform_2(%arg0: i32) -> (i32, i32) {
    %c0_i32 = arith.constant 0 : i32
    %c0_i32_0 = arith.constant 0 : i32
    %c0_i32_1 = arith.constant 0 : i32
    return %c0_i32, %c0_i32_0 : i32, i32
  }
  func.func @transform_3(%arg0: i32) -> (i32, i32) {
    %c0_i32 = arith.constant 0 : i32
    %c0_i32_0 = arith.constant 0 : i32
    %c0_i32_1 = arith.constant 0 : i32
    return %c0_i32, %c0_i32_0 : i32, i32
  }
  func.func @transform_4(%arg0: i32) -> (i32, i32) {
    %c0_i32 = arith.constant 0 : i32
    %c0_i32_0 = arith.constant 0 : i32
    return %arg0, %c0_i32 : i32, i32
  }
}

module attributes {stable_mosaic.version = 14 : i64} {
  func.func @body(%arg0: i32, %arg1: memref<1000x128xf32, #tpu.memory_space<vmem>>, %arg2: memref<4x1000x64xf32, #tpu.memory_space<vmem>>, %arg3: memref<128x128xf32, #tpu.memory_space<vmem>>, %arg4: memref<128x128xf32, #tpu.memory_space<vmem>>, %arg5: memref<1000x128xf32, #tpu.memory_space<vmem>>) attributes {dimension_semantics = [#tpu.dimension_semantics<arbitrary>], iteration_bounds = array<i64: 10>, scalar_prefetch = 0 : i64, scratch_operands = 0 : i64, tpu.core_type = #tpu.core_type<tc>, window_params = [{transform_indices = @transform_0, window_bounds = array<i64: 1000, 128>}, {transform_indices = @transform_1, window_bounds = array<i64: 4, 1000, 64>}, {pipeline_mode = #tpu.pipeline_mode<synchronous>, transform_indices = @transform_2, window_bounds = array<i64: 128, 128>}, {pipeline_mode = #tpu.pipeline_mode<synchronous>, transform_indices = @transform_3, window_bounds = array<i64: 128, 128>}, {transform_indices = @transform_4, window_bounds = array<i64: 1000, 128>}]} {
    %get3A = arith.constant 0 : index
    %get3A_0 = arith.constant 0 : index
    %get3A_1 = vector.load %arg3[%get3A, %get3A_0] : memref<128x128xf32, #tpu.memory_space<vmem>>, vector<128x128xf32>
    %get3A_2 = arith.constant 0 : index
    %get3A_3 = arith.constant 0 : index
    %get3A_4 = vector.load %arg4[%get3A_2, %get3A_3] : memref<128x128xf32, #tpu.memory_space<vmem>>, vector<128x128xf32>
    %dot_general3A = arith.constant dense<0.000000e+00> : vector<128x128xf32>
    %dot_general3A_5 = tpu.matmul %get3A_1, %get3A_4, %dot_general3A {dimension_numbers = #tpu.dot_dimension_numbers<[1], [0], [0], [1], [0, 0, 1, 1], [], []>, transpose_lhs_hint = false} : vector<128x128xf32>, vector<128x128xf32>, vector<128x128xf32> -> vector<128x128xf32>
    %get3A_6 = arith.constant 0 : index
    %get3A_7 = arith.constant 0 : index
    %get3A_8 = arith.constant 0 : index
    %get3A_9 = vector.load %arg2[%get3A_6, %get3A_7, %get3A_8] : memref<4x1000x64xf32, #tpu.memory_space<vmem>>, vector<1x1000x64xf32>
    %get3A_10 = vector.shape_cast %get3A_9 : vector<1x1000x64xf32> to vector<1000x64xf32>
    %get3A_11 = arith.constant 2 : index
    %get3A_12 = arith.constant 0 : index
    %get3A_13 = arith.constant 0 : index
    %get3A_14 = vector.load %arg2[%get3A_11, %get3A_12, %get3A_13] : memref<4x1000x64xf32, #tpu.memory_space<vmem>>, vector<1x1000x64xf32>
    %get3A_15 = vector.shape_cast %get3A_14 : vector<1x1000x64xf32> to vector<1000x64xf32>
    %add3A = arith.addf %get3A_10, %get3A_15 : vector<1000x64xf32>
    %get3A_16 = arith.constant 1 : index
    %get3A_17 = arith.constant 0 : index
    %get3A_18 = arith.constant 0 : index
    %get3A_19 = vector.load %arg2[%get3A_16, %get3A_17, %get3A_18] : memref<4x1000x64xf32, #tpu.memory_space<vmem>>, vector<1x1000x64xf32>
    %get3A_20 = vector.shape_cast %get3A_19 : vector<1x1000x64xf32> to vector<1000x64xf32>
    %get3A_21 = arith.constant 3 : index
    %get3A_22 = arith.constant 0 : index
    %get3A_23 = arith.constant 0 : index
    %get3A_24 = vector.load %arg2[%get3A_21, %get3A_22, %get3A_23] : memref<4x1000x64xf32, #tpu.memory_space<vmem>>, vector<1x1000x64xf32>
    %get3A_25 = vector.shape_cast %get3A_24 : vector<1x1000x64xf32> to vector<1000x64xf32>
    %add3A_26 = arith.addf %get3A_20, %get3A_25 : vector<1000x64xf32>
    %get3A_27 = arith.constant 0 : index
    %get3A_28 = arith.constant 0 : index
    %get3A_29 = vector.load %arg1[%get3A_27, %get3A_28] : memref<1000x128xf32, #tpu.memory_space<vmem>>, vector<1000x128xf32>
    %slice3A = vector.extract_strided_slice %dot_general3A_5 {offsets = [0, 0], sizes = [64, 128], strides = [1, 1]} : vector<128x128xf32> to vector<64x128xf32>
    %dot_general3A_30 = arith.constant dense<0.000000e+00> : vector<1000x128xf32>
    %dot_general3A_31 = tpu.matmul %add3A, %slice3A, %dot_general3A_30 {dimension_numbers = #tpu.dot_dimension_numbers<[1], [0], [0], [1], [0, 0, 1, 1], [], []>, transpose_lhs_hint = false} : vector<1000x64xf32>, vector<64x128xf32>, vector<1000x128xf32> -> vector<1000x128xf32>
    %add3A_32 = arith.addf %get3A_29, %dot_general3A_31 : vector<1000x128xf32>
    %slice3A_33 = vector.extract_strided_slice %dot_general3A_5 {offsets = [64, 0], sizes = [64, 128], strides = [1, 1]} : vector<128x128xf32> to vector<64x128xf32>
    %dot_general3A_34 = arith.constant dense<0.000000e+00> : vector<1000x128xf32>
    %dot_general3A_35 = tpu.matmul %add3A_26, %slice3A_33, %dot_general3A_34 {dimension_numbers = #tpu.dot_dimension_numbers<[1], [0], [0], [1], [0, 0, 1, 1], [], []>, transpose_lhs_hint = false} : vector<1000x64xf32>, vector<64x128xf32>, vector<1000x128xf32> -> vector<1000x128xf32>
    %add3A_36 = arith.addf %add3A_32, %dot_general3A_35 : vector<1000x128xf32>
    %max3A = arith.constant 0.000000e+00 : f32
    %max3A_37 = vector.broadcast %max3A : f32 to vector<1000x128xf32>
    %max3A_38 = arith.maximumf %add3A_36, %max3A_37 : vector<1000x128xf32>
    %swap3A = arith.constant 0 : index
    %swap3A_39 = arith.constant 0 : index
    %swap3A_40 = vector.load %arg5[%swap3A, %swap3A_39] : memref<1000x128xf32, #tpu.memory_space<vmem>>, vector<1000x128xf32>
    tpu.vector_store %arg5[%swap3A, %swap3A_39], %max3A_38 {strides = array<i32>} : memref<1000x128xf32, #tpu.memory_space<vmem>>, vector<1000x128xf32>,
    return
  }
  func.func @transform_0(%arg0: i32) -> (i32, i32) {
    %c0_i32 = arith.constant 0 : i32
    %c0_i32_0 = arith.constant 0 : i32
    return %arg0, %c0_i32 : i32, i32
  }
  func.func @transform_1(%arg0: i32) -> (i32, i32, i32) {
    %c0_i32 = arith.constant 0 : i32
    %c0_i32_0 = arith.constant 0 : i32
    %c0_i32_1 = arith.constant 0 : i32
    return %c0_i32, %arg0, %c0_i32_0 : i32, i32, i32
  }
  func.func @transform_2(%arg0: i32) -> (i32, i32) {
    %c0_i32 = arith.constant 0 : i32
    %c0_i32_0 = arith.constant 0 : i32
    %c0_i32_1 = arith.constant 0 : i32
    return %c0_i32, %c0_i32_0 : i32, i32
  }
  func.func @transform_3(%arg0: i32) -> (i32, i32) {
    %c0_i32 = arith.constant 0 : i32
    %c0_i32_0 = arith.constant 0 : i32
    %c0_i32_1 = arith.constant 0 : i32
    return %c0_i32, %c0_i32_0 : i32, i32
  }
  func.func @transform_4(%arg0: i32) -> (i32, i32) {
    %c0_i32 = arith.constant 0 : i32
    %c0_i32_0 = arith.constant 0 : i32
    return %arg0, %c0_i32 : i32, i32
  }
}

</mosaic_0001>

<sc_bundles>
// kernel: kernel.12.cloned.1.call-start
scs
__scs_entry_jumppad:
0x0: {  	(pc) =	sbr.rel $0x88, $3  }
0x1: {  	(tag) =	ssettag $0x0;
	lr =	simm.s32 $0x1  }
0x2: {  	[smem:$0x3F97] =	sst lr;
	_ =	strace $0xD0000000  }
0x3: {  	_ = 	snop  }
0x4: {  	_ = 	snop  }
0x5: {  	_ = 	snop  }
0x6: {  	_ = 	snop  }
0x7: {  	_ = 	snop  }
__scs_overlays_trampoline_lowered:
0x8: {  	[smem:$0x3FA6] =	sst s0  }
0x9: {  	[smem:$0x3FA7] =	sst s1  }
0xa: {  	[smem:$0x3FA8] =	sst s2  }
0xb: {  	[smem:$0x3FA9] =	sst s3  }
0xc: {  	[smem:$0x3FAA] =	sst s4  }
0xd: {  	[smem:$0x3FAB] =	sst s5  }
0xe: {  	[smem:$0x3FAC] =	sst s6  }
0xf: {  	[smem:$0x3FAD] =	sst s7  }
0x10: {  	[smem:$0x3FAE] =	sst s8  }
0x11: {  	[smem:$0x3FAF] =	sst s9;
	s0 =	simm.s32 @!p0 $0x0  }
0x12: {  	s1 =	sld [smem:$0x3F95];
	s0 =	simm.s32 @p0 $0x1  }
0x13: {  	[smem:$0x3FB0] =	sst s0;
	s0 =	simm.s32 @!p1 $0x0  }
0x14: {  	s2 =	sld [smem:$0x3F94];
	s0 =	simm.s32 @p1 $0x1  }
0x15: {  	[smem:$0x3FB1] =	sst s0;
	s0 =	simm.s32 @!p2 $0x0  }
0x16: {  	s3 =	sld [smem:$0x3FDB];
	s0 =	simm.s32 @p2 $0x1  }
0x17: {  	s4 =	simm.s32 $0x1BF5;
	[smem:$0x3FB3] =	sst s0  }
0x18: {  	s0 =	sld [smem:$0x3F96];
	_ =	swait.ge [sflag:s4], $0x0  }
0x19: {  	s7 =	sld [smem:$0x3F97]  }
0x1a: {  	s8 =	sadd.s32 $0xFFFFE003, lr  }
0x1b: {  	s9 =	sadd.s32 $0xFFFFFEF7, lr;
	s5 =	simm.s32 $0xFFFFFFFF;
	p2 =	slt.u32 s8, $0xFFFFF086  }
0x1c: {  	p1 =	slt.u32 s9, $0xF7A;
	s5 =	simm.s32 @!p2 $0x0  }
0x1d: {  	s5 =	simm.s32 @p1 $0x1;
	p0 =	seq.s32 s7, s2  }
0x1e: {  	s7 =	smul.u32 @!p0 $0xF7A, s2;
	p2 =	seq.s32 @!p0 s5, $0x0  }
0x1f: {  	s9 =	smul.u32 $0xF7A, s1;
	s8 =	simm.s32 @!p0 $0x1BF5;
	p2 =	por !p2, p0  }
0x20: {  	[sflag:s8] =	ssyncset.s32 @!p0 $0xFFFFF086;
	s6 =	sadd.s32 @!p0 s3, s7;
	s7 =	simm.s32 @!p0 $0x108  }
0x21: {  	s3 =	sadd.s32 s3, s9;
	s6 =	sadd.s32 @!p0 $0x88, s6;
	s7 =	simm.s32 @p2 $0x1082  }
0x22: {  	[simem:s7], [sflag:s8] =	dma.local @!p0 [hbm:s6], $0xF7A  }
0x23: {  	s9 =	sor.u32 $0xD0000000, s2;
	s6 =	simm.s32 $0x108;
	_ =	swait.ge @!p0 [sflag:s8], $0x0  }
0x24: {  	s3 =	sadd.s32 $0x88, s3;
	s6 =	simm.s32 @!p1 $0x1082;
	[sflag:s4] =	ssyncset.s32 $0xFFFFF086  }
0x25: {  	[simem:s6], [sflag:s4] =	dma.local [hbm:s3], $0xF7A  }
0x26: {  	[smem:$0x3F97] =	sst s1;
	(tag) =	ssettag s2;
	_ =	strace s9  }
0x27: {  	s1 =	sld [smem:$0x3FA7]  }
0x28: {  	s2 =	sld [smem:$0x3FA8]  }
0x29: {  	s4 =	sld [smem:$0x3FAA]  }
0x2a: {  	p0 =	seq.s32 s5, $0x0;
	s5 =	sld [smem:$0x3FAB]  }
0x2b: {  	s6 =	sld [smem:$0x3FAC]  }
0x2c: {  	s7 =	sld [smem:$0x3FAD]  }
0x2d: {  	s3 =	simm.s32 $0x108;
	s8 =	sld [smem:$0x3FAE]  }
0x2e: {  	s3 =	simm.s32 @!p0 $0x1082;
	s9 =	sld [smem:$0x3FAF]  }
0x2f: {  	lr =	sadd.s32 s0, s3;
	s0 =	sld [smem:$0x3FA6]  }
0x30: {  	s3 =	sld [smem:$0x3FA9]  }
0x31: {  	[smem:$0x3FB2] =	sst s10  }
0x32: {  	s10 =	sld [smem:$0x3FB0];
	_ =	sdelay $0x3  }
0x33: {  	p0 =	seq.s32 s10, $0x1;
	s10 =	sld [smem:$0x3FB2];
	_ =	sdelay $0x3  }
0x34: {  	[smem:$0x3FB2] =	sst s10  }
0x35: {  	s10 =	sld [smem:$0x3FB1];
	_ =	sdelay $0x3  }
0x36: {  	p1 =	seq.s32 s10, $0x1;
	s10 =	sld [smem:$0x3FB2];
	_ =	sdelay $0x3  }
0x37: {  	[smem:$0x3FB2] =	sst s10  }
0x38: {  	s10 =	sld [smem:$0x3FB3]  }
0x39: {  	_ = 	snop;
	(pc) =	sbr.ind lr, $3  }
0x3a: {  	_ = 	snop  }
0x3b: {  	_ = 	snop  }
0x3c: {  	p2 =	seq.s32 s10, $0x1;
	s10 =	sld [smem:$0x3FB2]  }
0x3d: {  	_ =	shalt  }
0x3e: {  	_ =	shalt  }
0x3f: {  	_ =	shalt  }
0x40: {  	_ =	shalt  }
0x41: {  	_ =	shalt  }
0x42: {  	_ =	shalt  }
0x43: {  	_ =	shalt  }
0x44: {  	_ =	shalt  }
0x45: {  	_ =	shalt  }
0x46: {  	_ =	shalt  }
0x47: {  	_ =	shalt  }
0x48: {  	_ =	shalt  }
0x49: {  	_ =	shalt  }
0x4a: {  	_ =	shalt  }
0x4b: {  	_ =	shalt  }
0x4c: {  	_ =	shalt  }
0x4d: {  	_ =	shalt  }
0x4e: {  	_ =	shalt  }
0x4f: {  	_ =	shalt  }
0x50: {  	_ =	shalt  }
0x51: {  	_ =	shalt  }
0x52: {  	_ =	shalt  }
0x53: {  	_ =	shalt  }
0x54: {  	_ =	shalt  }
0x55: {  	_ =	shalt  }
0x56: {  	_ =	shalt  }
0x57: {  	_ =	shalt  }
0x58: {  	_ =	shalt  }
0x59: {  	_ =	shalt  }
0x5a: {  	_ =	shalt  }
0x5b: {  	_ =	shalt  }
0x5c: {  	_ =	shalt  }
0x5d: {  	_ =	shalt  }
0x5e: {  	_ =	shalt  }
0x5f: {  	_ =	shalt  }
0x60: {  	_ =	shalt  }
0x61: {  	_ =	shalt  }
0x62: {  	_ =	shalt  }
0x63: {  	_ =	shalt  }
0x64: {  	_ =	shalt  }
0x65: {  	_ =	shalt  }
0x66: {  	_ =	shalt  }
0x67: {  	_ =	shalt  }
0x68: {  	_ =	shalt  }
0x69: {  	_ =	shalt  }
0x6a: {  	_ =	shalt  }
0x6b: {  	_ =	shalt  }
0x6c: {  	_ =	shalt  }
0x6d: {  	_ =	shalt  }
0x6e: {  	_ =	shalt  }
0x6f: {  	_ =	shalt  }
0x70: {  	_ =	shalt  }
0x71: {  	_ =	shalt  }
0x72: {  	_ =	shalt  }
0x73: {  	_ =	shalt  }
0x74: {  	_ =	shalt  }
0x75: {  	_ =	shalt  }
0x76: {  	_ =	shalt  }
0x77: {  	_ =	shalt  }
0x78: {  	_ =	shalt  }
0x79: {  	_ =	shalt  }
0x7a: {  	_ =	shalt  }
0x7b: {  	_ =	shalt  }
0x7c: {  	_ =	shalt  }
0x7d: {  	_ =	shalt  }
0x7e: {  	_ =	shalt  }
0x7f: {  	_ =	shalt  }
0x80: {  	_ =	shalt  }
0x81: {  	_ =	shalt  }
0x82: {  	_ =	shalt  }
0x83: {  	_ =	shalt  }
0x84: {  	_ =	shalt  }
0x85: {  	_ =	shalt  }
0x86: {  	_ =	shalt  }
0x87: {  	_ =	shalt  }
.Lfunc_end0:
.L_simem_size_0:
called_computation_lowered:
.L_overlay_start_0:
0x88: {  	s2 =	sld [smem:$0x3FD9]  }
0x89: {  	s3 =	sld [smem:$0x3FFE];
	_ =	sdelay $0x1  }
0x8a: {  	s1 =	srdreg.scid  }
0x8b: {  	s0 =	sand.u32 $0x1, s1  }
0x8c: {  	s14 =	sshll.u32 s0, $0xA;
	s2 =	sadd.s32 s3, s2  }
0x8d: {  	s2 =	sadd.s32 s2, s14  }
0x8e: {  	[smem:$0x3FBE] =	sst s2  }
0x8f: {  	_ = 	snop  }
0x90: {  	s2 =	sld [smem:$0x3FD0];
	_ =	sdelay $0x2  }
0x91: {  	s15 =	simm.s32 $0xA;
	s4 =	simm.s32 $0x10  }
0x92: {  	[smem:s4], [sflag:s15] =	dma.local [hbm:s2], $0x1  }
0x93: {  	_ =	swait.eq [sflag:s15], $0x1  }
0x94: {  	[sflag:s15] =	ssyncset.done $0x0  }
0x95: {  	s16 =	sld [smem:$0x10];
	[sflag:s15] =	ssyncadd.s32 $0xFFFFFFFF  }
0x96: {  	s17 =	sld [smem:$0x12];
	(tm) =	ssettm $0x1  }
0x97: {  	s18 =	sld [smem:$0x3FFB];
	_ =	sdelay $0x3  }
0x98: {  	_ =	strace s18  }
0x99: {  	s4 =	sld [smem:$0x3FFC];
	_ =	sdelay $0x3  }
0x9a: {  	_ =	strace s4  }
0x9b: {  	s4 =	sld [smem:$0x3FFD];
	_ =	sdelay $0x3  }
0x9c: {  	_ =	strace s4  }
0x9d: {  	_ =	strace $0x8FFFFFFF  }
0x9e: {  	s19 =	sld [smem:$0x3FDB];
	_ =	sdelay $0x1  }
0x9f: {  	s5 =	simm.s32 $_scs_section_size  }
0xa0: {  	s6 =	simm.s32 $_size__tile_overlayer_lowered;
	s7 =	simm.s32 $_tile_overlayer_lowered  }
0xa1: {  	s22 =	simm.s32 $0x1BFF;
	s21 =	sshll.u32 s7, $0x1;
	s4 =	sadd.s32 s5, s19  }
0xa2: {  	s8 =	simm.s32 $0x0;
	s20 =	sshll.u32 s6, $0x1;
	s6 =	sadd.s32 s21, s4  }
0xa3: {  	[timem:s8], [sflag:s22] =	dma.local [hbm:s6], s20  }
0xa4: {  	_ =	swait.ge [sflag:s22], s20  }
0xa5: {  	s5 =	ssub.s32 $0x0, s20;
	[sflag:s22] =	ssyncset.done $0x0  }
0xa6: {  	[sflag:s22] =	ssyncadd.s32 s5;
	_ =	sdelay $0x1  }
0xa7: {  	s23 =	simm.s32 $0x1B8B  }
0xa8: {  	_ =	swait.ge [sflag:s23], $0x1  }
0xa9: {  	[sflag:s23] =	ssyncset.done $0x0  }
0xaa: {  	s25 =	simm.s32 $0x1B8E;
	s24 =	sld [smem:$0x3FFE];
	[sflag:s23] =	ssyncadd.s32 $0xFFFFFFFF  }
0xab: {  	s26 =	simm.s32 $execute0_lowered;
	[smem:$0x3FD2] =	sst s25  }
0xac: {  	s6 =	sshll.u32 s26, $0x1;
	_ =	strace $0x80000046;
	[dreg:$0x1] =	wrdreg $0xFFFFFFFF  }
0xad: {  	s28 =	simm.s32 $_size_execute0_lowered;
	s4 =	sadd.s32 s4, s6;
	[dreg:$0x0] =	wrdreg $0x0  }
0xae: {  	s6 =	sshll.u32 s28, $0x1;
	[dreg:$0x2] =	wrdreg s4  }
0xaf: {  	[dreg:$0x3] =	wrdreg s6  }
0xb0: {  	[dreg:$0x4] =	wrdreg $0xC0  }
0xb1: {  	_ =	task [dreg:s8], $0x5FFFF  }
0xb2: {  	[dreg:$0x1] =	wrdreg $0xFFFFFFFF  }
0xb3: {  	[dreg:$0x0] =	wrdreg $0x60  }
0xb4: {  	[dreg:$0x2] =	wrdreg s16  }
0xb5: {  	[dreg:$0x3] =	wrdreg s24  }
0xb6: {  	[dreg:$0x4] =	wrdreg s17  }
0xb7: {  	[dreg:$0x5] =	wrdreg $0x141E00  }
0xb8: {  	[dreg:$0x6] =	wrdreg $0x9  }
0xb9: {  	_ =	task.clear_ibuf [dreg:s8], $0x7FFFF;
	_ =	strace $0x90000046  }
0xba: {  	s29 =	simm.s32 $0x9;
	_ =	strace $0x80000048  }
0xbb: {  	_ =	swait.ge [sflag:s29], $0x1  }
0xbc: {  	[sflag:s29] =	ssyncadd.s32 $0xFFFFFFFF  }
0xbd: {  	_ =	strace $0x90000048  }
0xbe: {  	_ =	sfence  }
0xbf: {  	s30 =	sld [smem:$0x0];
	_ =	sdelay $0x2  }
0xc0: {  	s31 =	sshll.u32 s1, $0xD;
	s1 =	sshrl.u32 s1, $0x2  }
0xc1: {  	s3 =	sand.u32 $0x4000, s31;
	s1 =	sadd.s32 s1, s30  }
0xc2: {  	s0 =	sor.u32 s3, s0;
	s1 =	sshll.u32 s1, $0x11  }
0xc3: {  	s0 =	sor.u32 s1, s0  }
0xc4: {  	s0 =	sadd.s32 $0x8F2B, s0  }
0xc5: {  	[sflag:s0] =	ssyncadd.remote.s32 $0x1  }
0xc6: {  	_ =	sfence.sel $0xFFFF  }
0xc7: {  	[dreg:$0x0] =	wrdreg $0xFFFFFFFF;
	(pc) =	sbr.abs _section_cstart, $3  }
0xc8: {  	[dreg:$0x1] =	wrdreg $0xFFFFFFFF  }
0xc9: {  	_ =	task.clear_ibuf [dreg:s8], $0x2FFFF;
	_ =	strace $0x9FFFFFFF  }
0xca: {  	(tm) =	ssettm $0x7FFFFFFF  }
0xcb: {  	_ =	shalt  }
tec
execute0_lowered:
.L_overlay_start_1:
0x0: {  	(tag) =	ssettag $0x1  }
0x1: {  	s0 =	rddreg [dreg:$0x0]  }
0x2: {  	s5 =	rddreg [dreg:$0x1]  }
0x3: {  	s7 =	rddreg [dreg:$0x2]  }
0x4: {  	s1 =	srdreg.scid;
	s3 =	rddreg [dreg:$0x3]  }
0x5: {  	s4 =	simm.s32 $0x0;
	s6 =	sand.u32 $0x1, s1;
	s1 =	stileid.u32  }
0x6: {  	[smem:$0x7FF] =	sst s4;
	s2 =	sshll.u32 s6, $0x4;
	s10 =	smul.u32 $0xA000, s1  }
0x7: {  	s11 =	smul.u32 $0x28000, s6;
	s6 =	ssub.s32 $0x2, s6;
	s31 =	sshll.u32 s1, $0x6  }
0x8: {  	s8 =	sor.u32 s1, s2;
	s2 =	rddreg [dreg:$0x4];
	_ =	strace $0x80000047  }
0x9: {  	s13 =	sshrl.u32 s6, $0x1;
	s9 =	smul.u32 $0xA28, s8;
	s15 =	sshrl.u32 s10, $0x3  }
0xa: {  	s8 =	smul.u32 $0x514, s8;
	s11 =	sadd.s32 s11, s5;
	s13 =	ssub.s32 s6, s13  }
0xb: {  	s14 =	sadd.s32 s10, s3;
	s10 =	simm.s32 $0x5140;
	s12 =	sadd.s32 s15, s5  }
.Ltmp0:
0xc: {  	s16 =	sadd.s32 $0x2C800, s11;
	s17 =	sadd.s32 $0x40800, s11;
	(pc) =	sbr.rel .LBB2_1-.Ltmp0, $4  }
0xd: {  	s11 =	sor.u32 $0x1C09, s31;
	s9 =	sadd.s32 s9, s5;
	s6 =	sadd.s32 s7, s8  }
0xe: {  	s7 =	sadd.s32 $0x18800, s12;
	s8 =	smax.u32 s13, $0x1;
	s12 =	sshrl.u32 s14, $0x3  }
0xf: {  	s13 =	simm.s32 $0x64;
	s14 =	sadd.s32 s15, s16;
	s15 =	sadd.s32 s15, s17  }
0x10: {  	s16 =	simm.s32 $0x0;
	s5 =	sadd.s32 $0x4200, s9;
	s9 =	simm.s32 $0x9  }
.LBB2_11:
0x11: {  	s16 =	sadd.s32 $0x1, s16  }
0x12: {  	p0 =	sne.s32 s16, s8  }
.Ltmp1:
0x13: {  	[bflag:$0x0] =	sbarrier.arrive $0xFFFF;
	(pc) =	sbr.rel @!p0 .LBB2_12-.Ltmp1, $4  }
0x14: {  	[hbm:s15], [sflag:s11] =	dma.local [spmem:s12], $0x1400  }
0x15: {  	_ =	swait.ge [sflag:s9], $0x1400  }
0x16: {  	[sflag:s9] =	ssyncset.done $0x0  }
0x17: {  	[sflag:s9] =	ssyncadd.s32 $0xFFFFEC00  }
.LBB2_1:
0x18: {  	[tilespmem:s4], [sflag:$0x9] =	stream.linear.gather [hbm4b:s5+s4], $0x5140, $0x38;
	[tilespmem:$0x1E1E0] =	vst v63  }
0x19: {  	_ =	swait.ge [sflag:s9], $0x5140  }
0x1a: {  	[sflag:s9] =	ssyncset.done $0x0  }
0x1b: {  	[sflag:s9] =	ssyncadd.s32 $0xFFFFAEC0  }
0x1c: {  	[tilespmem:s10], [sflag:$0x9] =	stream.linear.gather [hbm4b:s6+s4], $0x28A0, $0x38;
	[tilespmem:$0x1E1E0] =	vst v63  }
0x1d: {  	_ =	swait.ge [sflag:s9], $0x28A0  }
0x1e: {  	[sflag:s9] =	ssyncset.done $0x0  }
0x1f: {  	[sflag:s9] =	ssyncadd.s32 $0xFFFFD760  }
0x20: {  	[spmem:s12], [sflag:s11] =	dma.local [hbm:s7], $0x1400  }
.Ltmp2:
0x21: {  	_ =	swait.ge [sflag:s9], $0x1400;
	(pc) =	sbr.rel .LBB2_2-.Ltmp2, $4  }
0x22: {  	[sflag:s9] =	ssyncset.done $0x0  }
0x23: {  	[sflag:s9] =	ssyncadd.s32 $0xFFFFEC00  }
0x24: {  	[bflag:$0x0] =	sbarrier.arrive $0xFFFF  }
0x25: {  	s17 =	simm.s32 $0x4E00;
	s18 =	simm.s32 $0x0;
	s19 =	simm.s32 $0x0  }
.LBB2_4:
0x26: {  	s21 =	sshrl.u32 s21, $0x2  }
0x27: {  	s21 =	sadd.s32 $0x79E0, s21  }
0x28: {  	[tilespmem:s21], [sflag:s20] =	stream.indirect.gather [hbm4b:s0+s13], $0x40, s18, s13, $0xb8;
	[tilespmem:$0x1E1E0] =	vst v63  }
.LBB2_5:
0x29: {  	s19 =	sadd.s32 $0x1, s19  }
0x2a: {  	p0 =	sne.s32 s19, $0x6C  }
.Ltmp3:
0x2b: {  	_ = 	snop;
	(pc) =	sbr.rel @!p0 .LBB2_6-.Ltmp3, $2  }
0x2c: {  	_ =	sdelay $0x2  }
0x2d: {  	s18 =	sadd.s32 $0x68, s18;
	s17 =	sadd.s32 $0x68, s17  }
.LBB2_2:
0x2e: {  	p0 =	sgt.u32 s19, $0x7  }
.Ltmp4:
0x2f: {  	_ = 	snop;
	(pc) =	sbr.rel @!p0 .LBB2_4-.Ltmp4, $4  }
0x30: {  	_ = 	snop  }
0x31: {  	s22 =	sand.u32 $0x7, s19  }
0x32: {  	s21 =	smul.u32 $0x6400, s22  }
0x33: {  	s20 =	sadd.s32 $0x1, s22  }
0x34: {  	s21 =	smul.u32 $0x6400, s22  }
0x35: {  	_ =	swait.ge [sflag:s20], $0x1900  }
0x36: {  	[sflag:s20] =	ssyncset.done $0x0;
	s22 =	sshrl.u32 s21, $0x2  }
0x37: {  	p0 =	sgt.u32 s19, $0x63;
	[sflag:s20] =	ssyncadd.s32 $0xFFFFE700;
	s22 =	sadd.s32 $0x79E0, s22  }
0x38: {  	[spmem:s3] =	stream.indirect.scatter.add.f32 [tilespmem:s22], [sflag:$0x9], $0x40, s17, s13, $0xb8;
	[tilespmem:$0x1E1E0] =	vst v63  }
.Ltmp5:
0x39: {  	_ = 	snop;
	(pc) =	sbr.rel @p0 .LBB2_5-.Ltmp5, $4  }
.Ltmp6:
0x3a: {  	_ = 	snop;
	(pc) =	sbr.rel @!p0 .LBB2_4-.Ltmp6, $4  }
0x3b: {  	_ =	swait.ge [sflag:s9], $0x1900  }
0x3c: {  	[sflag:s9] =	ssyncset.done $0x0  }
0x3d: {  	[sflag:s9] =	ssyncadd.s32 $0xFFFFE700  }
0x3e: {  	_ = 	snop  }
.LBB2_6:
0x3f: {  	[bflag:$0x0] =	sbarrier.arrive $0xFFFF  }
0x40: {  	[hbm:s14], [sflag:s11] =	dma.local [spmem:s12], $0x1400  }
0x41: {  	_ =	swait.ge [sflag:s9], $0x1400  }
0x42: {  	[sflag:s9] =	ssyncset.done $0x0  }
0x43: {  	[sflag:s9] =	ssyncadd.s32 $0xFFFFEC00  }
0x44: {  	[spmem:s12], [sflag:s11] =	dma.local [hbm:s7], $0x1400  }
.Ltmp7:
0x45: {  	_ =	swait.ge [sflag:s9], $0x1400;
	(pc) =	sbr.rel .LBB2_7-.Ltmp7, $4  }
0x46: {  	[sflag:s9] =	ssyncset.done $0x0  }
0x47: {  	[sflag:s9] =	ssyncadd.s32 $0xFFFFEC00  }
0x48: {  	[bflag:$0x0] =	sbarrier.arrive $0xFFFF  }
0x49: {  	s17 =	simm.s32 $0x0;
	s18 =	simm.s32 $0x28A0;
	s19 =	simm.s32 $0x4E00  }
.LBB2_9:
0x4a: {  	s21 =	sshrl.u32 s21, $0x2  }
0x4b: {  	s21 =	sadd.s32 $0x79E0, s21  }
0x4c: {  	[tilespmem:s21], [sflag:s20] =	stream.indirect.gather [hbm4b:s0+s13], $0x40, s18, s13, $0xb8;
	[tilespmem:$0x1E1E0] =	vst v63  }
.LBB2_10:
0x4d: {  	s17 =	sadd.s32 $0x1, s17  }
0x4e: {  	p0 =	sne.s32 s17, $0x6C  }
.Ltmp8:
0x4f: {  	_ = 	snop;
	(pc) =	sbr.rel @!p0 .LBB2_11-.Ltmp8, $2  }
0x50: {  	_ =	sdelay $0x2  }
0x51: {  	s18 =	sadd.s32 $0x68, s18;
	s19 =	sadd.s32 $0x68, s19  }
.LBB2_7:
0x52: {  	p0 =	sgt.u32 s17, $0x7  }
.Ltmp9:
0x53: {  	_ = 	snop;
	(pc) =	sbr.rel @!p0 .LBB2_9-.Ltmp9, $4  }
0x54: {  	_ = 	snop  }
0x55: {  	s22 =	sand.u32 $0x7, s17  }
0x56: {  	s21 =	smul.u32 $0x6400, s22  }
0x57: {  	s20 =	sadd.s32 $0x1, s22  }
0x58: {  	s21 =	smul.u32 $0x6400, s22  }
0x59: {  	_ =	swait.ge [sflag:s20], $0x1900  }
0x5a: {  	[sflag:s20] =	ssyncset.done $0x0;
	s22 =	sshrl.u32 s21, $0x2  }
0x5b: {  	p0 =	sgt.u32 s17, $0x63;
	[sflag:s20] =	ssyncadd.s32 $0xFFFFE700;
	s22 =	sadd.s32 $0x79E0, s22  }
0x5c: {  	[spmem:s3] =	stream.indirect.scatter.add.f32 [tilespmem:s22], [sflag:$0x9], $0x40, s19, s13, $0xb8;
	[tilespmem:$0x1E1E0] =	vst v63  }
.Ltmp10:
0x5d: {  	_ = 	snop;
	(pc) =	sbr.rel @p0 .LBB2_10-.Ltmp10, $4  }
.Ltmp11:
0x5e: {  	_ = 	snop;
	(pc) =	sbr.rel @!p0 .LBB2_9-.Ltmp11, $4  }
0x5f: {  	_ =	swait.ge [sflag:s9], $0x1900  }
0x60: {  	[sflag:s9] =	ssyncset.done $0x0  }
0x61: {  	[sflag:s9] =	ssyncadd.s32 $0xFFFFE700  }
0x62: {  	_ = 	snop  }
.LBB2_12:
0x63: {  	_ =	sfence.sel $0x180000  }
0x64: {  	[bflag:$0x0] =	sbarrier.arrive $0xFFFF  }
0x65: {  	p0 =	sne.s32 s1, $0x0;
	_ =	strace $0x90000047  }
0x66: {  	s0 =	sadd.s32 @!p0 $0x100000, s2;
	[bflag:$0x2] =	sbarrier.arrive $0xFFFF  }
0x67: {  	[sflag:s0] =	ssyncadd.tile.s32 @!p0 $0x1;
	_ =	shalt  }
.Lfunc_end2:
_tile_overlayer_lowered:
.L_overlay_start_2:
0x68: {  	(tag) =	ssettag $0x2  }
0x69: {  	s0 =	rddreg [dreg:$0x0];
	s2 =	stileid.u32  }
0x6a: {  	s1 =	rddreg [dreg:$0x1];
	p0 =	sne.s32 s2, $0x0  }
0x6b: {  	s3 =	rddreg [dreg:$0x2];
	[bflag:$0x3] =	sbarrier.arrive $0xFFFF;
	s2 =	simm.s32 @!p0 $0x1C09  }
0x6c: {  	[timem:s3], [sflag:s2] =	dma.local @!p0 [hbm:s0], s1  }
0x6d: {  	s0 =	simm.s32 @!p0 $0x9  }
0x6e: {  	_ =	swait.ge @!p0 [sflag:s0], s1  }
0x6f: {  	s1 =	ssub.s32 @!p0 $0x0, s1;
	[sflag:s0] =	ssyncset.done @!p0 $0x0  }
0x70: {  	[sflag:s0] =	ssyncadd.s32 @!p0 s1  }
0x71: {  	[bflag:$0x3] =	sbarrier.arrive $0xFFFF  }
0x72: {  	_ =	shalt  }

// kernel: kernel.15.cloned.1.call-start
scs
__scs_entry_jumppad:
0x0: {  	(pc) =	sbr.rel $0x88, $3  }
0x1: {  	(tag) =	ssettag $0x0;
	lr =	simm.s32 $0x1  }
0x2: {  	[smem:$0x3F97] =	sst lr;
	_ =	strace $0xD0000000  }
0x3: {  	_ = 	snop  }
0x4: {  	_ = 	snop  }
0x5: {  	_ = 	snop  }
0x6: {  	_ = 	snop  }
0x7: {  	_ = 	snop  }
__scs_overlays_trampoline_lowered:
0x8: {  	[smem:$0x3FA6] =	sst s0  }
0x9: {  	[smem:$0x3FA7] =	sst s1  }
0xa: {  	[smem:$0x3FA8] =	sst s2  }
0xb: {  	[smem:$0x3FA9] =	sst s3  }
0xc: {  	[smem:$0x3FAA] =	sst s4  }
0xd: {  	[smem:$0x3FAB] =	sst s5  }
0xe: {  	[smem:$0x3FAC] =	sst s6  }
0xf: {  	[smem:$0x3FAD] =	sst s7  }
0x10: {  	[smem:$0x3FAE] =	sst s8  }
0x11: {  	[smem:$0x3FAF] =	sst s9;
	s0 =	simm.s32 @!p0 $0x0  }
0x12: {  	s1 =	sld [smem:$0x3F95];
	s0 =	simm.s32 @p0 $0x1  }
0x13: {  	[smem:$0x3FB0] =	sst s0;
	s0 =	simm.s32 @!p1 $0x0  }
0x14: {  	s2 =	sld [smem:$0x3F94];
	s0 =	simm.s32 @p1 $0x1  }
0x15: {  	[smem:$0x3FB1] =	sst s0;
	s0 =	simm.s32 @!p2 $0x0  }
0x16: {  	s3 =	sld [smem:$0x3FDB];
	s0 =	simm.s32 @p2 $0x1  }
0x17: {  	s4 =	simm.s32 $0x1BF5;
	[smem:$0x3FB3] =	sst s0  }
0x18: {  	s0 =	sld [smem:$0x3F96];
	_ =	swait.ge [sflag:s4], $0x0  }
0x19: {  	s7 =	sld [smem:$0x3F97]  }
0x1a: {  	s8 =	sadd.s32 $0xFFFFE003, lr  }
0x1b: {  	s9 =	sadd.s32 $0xFFFFFEF7, lr;
	s5 =	simm.s32 $0xFFFFFFFF;
	p2 =	slt.u32 s8, $0xFFFFF086  }
0x1c: {  	p1 =	slt.u32 s9, $0xF7A;
	s5 =	simm.s32 @!p2 $0x0  }
0x1d: {  	s5 =	simm.s32 @p1 $0x1;
	p0 =	seq.s32 s7, s2  }
0x1e: {  	s7 =	smul.u32 @!p0 $0xF7A, s2;
	p2 =	seq.s32 @!p0 s5, $0x0  }
0x1f: {  	s9 =	smul.u32 $0xF7A, s1;
	s8 =	simm.s32 @!p0 $0x1BF5;
	p2 =	por !p2, p0  }
0x20: {  	[sflag:s8] =	ssyncset.s32 @!p0 $0xFFFFF086;
	s6 =	sadd.s32 @!p0 s3, s7;
	s7 =	simm.s32 @!p0 $0x108  }
0x21: {  	s3 =	sadd.s32 s3, s9;
	s6 =	sadd.s32 @!p0 $0x88, s6;
	s7 =	simm.s32 @p2 $0x1082  }
0x22: {  	[simem:s7], [sflag:s8] =	dma.local @!p0 [hbm:s6], $0xF7A  }
0x23: {  	s9 =	sor.u32 $0xD0000000, s2;
	s6 =	simm.s32 $0x108;
	_ =	swait.ge @!p0 [sflag:s8], $0x0  }
0x24: {  	s3 =	sadd.s32 $0x88, s3;
	s6 =	simm.s32 @!p1 $0x1082;
	[sflag:s4] =	ssyncset.s32 $0xFFFFF086  }
0x25: {  	[simem:s6], [sflag:s4] =	dma.local [hbm:s3], $0xF7A  }
0x26: {  	[smem:$0x3F97] =	sst s1;
	(tag) =	ssettag s2;
	_ =	strace s9  }
0x27: {  	s1 =	sld [smem:$0x3FA7]  }
0x28: {  	s2 =	sld [smem:$0x3FA8]  }
0x29: {  	s4 =	sld [smem:$0x3FAA]  }
0x2a: {  	p0 =	seq.s32 s5, $0x0;
	s5 =	sld [smem:$0x3FAB]  }
0x2b: {  	s6 =	sld [smem:$0x3FAC]  }
0x2c: {  	s7 =	sld [smem:$0x3FAD]  }
0x2d: {  	s3 =	simm.s32 $0x108;
	s8 =	sld [smem:$0x3FAE]  }
0x2e: {  	s3 =	simm.s32 @!p0 $0x1082;
	s9 =	sld [smem:$0x3FAF]  }
0x2f: {  	lr =	sadd.s32 s0, s3;
	s0 =	sld [smem:$0x3FA6]  }
0x30: {  	s3 =	sld [smem:$0x3FA9]  }
0x31: {  	[smem:$0x3FB2] =	sst s10  }
0x32: {  	s10 =	sld [smem:$0x3FB0];
	_ =	sdelay $0x3  }
0x33: {  	p0 =	seq.s32 s10, $0x1;
	s10 =	sld [smem:$0x3FB2];
	_ =	sdelay $0x3  }
0x34: {  	[smem:$0x3FB2] =	sst s10  }
0x35: {  	s10 =	sld [smem:$0x3FB1];
	_ =	sdelay $0x3  }
0x36: {  	p1 =	seq.s32 s10, $0x1;
	s10 =	sld [smem:$0x3FB2];
	_ =	sdelay $0x3  }
0x37: {  	[smem:$0x3FB2] =	sst s10  }
0x38: {  	s10 =	sld [smem:$0x3FB3]  }
0x39: {  	_ = 	snop;
	(pc) =	sbr.ind lr, $3  }
0x3a: {  	_ = 	snop  }
0x3b: {  	_ = 	snop  }
0x3c: {  	p2 =	seq.s32 s10, $0x1;
	s10 =	sld [smem:$0x3FB2]  }
0x3d: {  	_ =	shalt  }
0x3e: {  	_ =	shalt  }
0x3f: {  	_ =	shalt  }
0x40: {  	_ =	shalt  }
0x41: {  	_ =	shalt  }
0x42: {  	_ =	shalt  }
0x43: {  	_ =	shalt  }
0x44: {  	_ =	shalt  }
0x45: {  	_ =	shalt  }
0x46: {  	_ =	shalt  }
0x47: {  	_ =	shalt  }
0x48: {  	_ =	shalt  }
0x49: {  	_ =	shalt  }
0x4a: {  	_ =	shalt  }
0x4b: {  	_ =	shalt  }
0x4c: {  	_ =	shalt  }
0x4d: {  	_ =	shalt  }
0x4e: {  	_ =	shalt  }
0x4f: {  	_ =	shalt  }
0x50: {  	_ =	shalt  }
0x51: {  	_ =	shalt  }
0x52: {  	_ =	shalt  }
0x53: {  	_ =	shalt  }
0x54: {  	_ =	shalt  }
0x55: {  	_ =	shalt  }
0x56: {  	_ =	shalt  }
0x57: {  	_ =	shalt  }
0x58: {  	_ =	shalt  }
0x59: {  	_ =	shalt  }
0x5a: {  	_ =	shalt  }
0x5b: {  	_ =	shalt  }
0x5c: {  	_ =	shalt  }
0x5d: {  	_ =	shalt  }
0x5e: {  	_ =	shalt  }
0x5f: {  	_ =	shalt  }
0x60: {  	_ =	shalt  }
0x61: {  	_ =	shalt  }
0x62: {  	_ =	shalt  }
0x63: {  	_ =	shalt  }
0x64: {  	_ =	shalt  }
0x65: {  	_ =	shalt  }
0x66: {  	_ =	shalt  }
0x67: {  	_ =	shalt  }
0x68: {  	_ =	shalt  }
0x69: {  	_ =	shalt  }
0x6a: {  	_ =	shalt  }
0x6b: {  	_ =	shalt  }
0x6c: {  	_ =	shalt  }
0x6d: {  	_ =	shalt  }
0x6e: {  	_ =	shalt  }
0x6f: {  	_ =	shalt  }
0x70: {  	_ =	shalt  }
0x71: {  	_ =	shalt  }
0x72: {  	_ =	shalt  }
0x73: {  	_ =	shalt  }
0x74: {  	_ =	shalt  }
0x75: {  	_ =	shalt  }
0x76: {  	_ =	shalt  }
0x77: {  	_ =	shalt  }
0x78: {  	_ =	shalt  }
0x79: {  	_ =	shalt  }
0x7a: {  	_ =	shalt  }
0x7b: {  	_ =	shalt  }
0x7c: {  	_ =	shalt  }
0x7d: {  	_ =	shalt  }
0x7e: {  	_ =	shalt  }
0x7f: {  	_ =	shalt  }
0x80: {  	_ =	shalt  }
0x81: {  	_ =	shalt  }
0x82: {  	_ =	shalt  }
0x83: {  	_ =	shalt  }
0x84: {  	_ =	shalt  }
0x85: {  	_ =	shalt  }
0x86: {  	_ =	shalt  }
0x87: {  	_ =	shalt  }
.Lfunc_end0:
.L_simem_size_0:
called_computation.1_lowered:
.L_overlay_start_0:
0x88: {  	s2 =	sld [smem:$0x3FD9]  }
0x89: {  	s3 =	sld [smem:$0x3FFE];
	_ =	sdelay $0x1  }
0x8a: {  	s1 =	srdreg.scid  }
0x8b: {  	s0 =	sand.u32 $0x1, s1  }
0x8c: {  	s14 =	sshll.u32 s0, $0xA;
	s2 =	sadd.s32 s3, s2  }
0x8d: {  	s2 =	sadd.s32 s2, s14  }
0x8e: {  	[smem:$0x3FBE] =	sst s2  }
0x8f: {  	_ = 	snop  }
0x90: {  	s2 =	sld [smem:$0x3FD0];
	_ =	sdelay $0x2  }
0x91: {  	s15 =	simm.s32 $0xA;
	s4 =	simm.s32 $0x10  }
0x92: {  	[smem:s4], [sflag:s15] =	dma.local [hbm:s2], $0x1  }
0x93: {  	_ =	swait.eq [sflag:s15], $0x1  }
0x94: {  	[sflag:s15] =	ssyncset.done $0x0  }
0x95: {  	s16 =	sld [smem:$0x10];
	[sflag:s15] =	ssyncadd.s32 $0xFFFFFFFF  }
0x96: {  	s17 =	sld [smem:$0x12];
	(tm) =	ssettm $0x1  }
0x97: {  	s18 =	sld [smem:$0x3FFB];
	_ =	sdelay $0x3  }
0x98: {  	_ =	strace s18  }
0x99: {  	s4 =	sld [smem:$0x3FFC];
	_ =	sdelay $0x3  }
0x9a: {  	_ =	strace s4  }
0x9b: {  	s4 =	sld [smem:$0x3FFD];
	_ =	sdelay $0x3  }
0x9c: {  	_ =	strace s4  }
0x9d: {  	_ =	strace $0x8FFFFFFF  }
0x9e: {  	s19 =	sld [smem:$0x3FDB];
	_ =	sdelay $0x1  }
0x9f: {  	s5 =	simm.s32 $_scs_section_size  }
0xa0: {  	s6 =	simm.s32 $_size__tile_overlayer_lowered;
	s7 =	simm.s32 $_tile_overlayer_lowered  }
0xa1: {  	s22 =	simm.s32 $0x1BFF;
	s21 =	sshll.u32 s7, $0x1;
	s4 =	sadd.s32 s5, s19  }
0xa2: {  	s8 =	simm.s32 $0x0;
	s20 =	sshll.u32 s6, $0x1;
	s6 =	sadd.s32 s21, s4  }
0xa3: {  	[timem:s8], [sflag:s22] =	dma.local [hbm:s6], s20  }
0xa4: {  	_ =	swait.ge [sflag:s22], s20  }
0xa5: {  	s5 =	ssub.s32 $0x0, s20;
	[sflag:s22] =	ssyncset.done $0x0  }
0xa6: {  	[sflag:s22] =	ssyncadd.s32 s5;
	_ =	sdelay $0x1  }
0xa7: {  	s23 =	simm.s32 $0x1B8B  }
0xa8: {  	_ =	swait.ge [sflag:s23], $0x1  }
0xa9: {  	[sflag:s23] =	ssyncset.done $0x0  }
0xaa: {  	s25 =	simm.s32 $0x1B8E;
	s24 =	sld [smem:$0x3FFE];
	[sflag:s23] =	ssyncadd.s32 $0xFFFFFFFF  }
0xab: {  	s26 =	simm.s32 $execute0_lowered;
	[smem:$0x3FD2] =	sst s25  }
0xac: {  	s6 =	sshll.u32 s26, $0x1;
	_ =	strace $0x80000049;
	[dreg:$0x1] =	wrdreg $0xFFFFFFFF  }
0xad: {  	s28 =	simm.s32 $_size_execute0_lowered;
	s4 =	sadd.s32 s4, s6;
	[dreg:$0x0] =	wrdreg $0x0  }
0xae: {  	s6 =	sshll.u32 s28, $0x1;
	[dreg:$0x2] =	wrdreg s4  }
0xaf: {  	[dreg:$0x3] =	wrdreg s6  }
0xb0: {  	[dreg:$0x4] =	wrdreg $0xC0  }
0xb1: {  	_ =	task [dreg:s8], $0x5FFFF  }
0xb2: {  	[dreg:$0x1] =	wrdreg $0xFFFFFFFF  }
0xb3: {  	[dreg:$0x0] =	wrdreg $0x60  }
0xb4: {  	[dreg:$0x2] =	wrdreg s16  }
0xb5: {  	[dreg:$0x3] =	wrdreg s24  }
0xb6: {  	[dreg:$0x4] =	wrdreg s17  }
0xb7: {  	[dreg:$0x5] =	wrdreg $0x141E00  }
0xb8: {  	[dreg:$0x6] =	wrdreg $0x9  }
0xb9: {  	_ =	task.clear_ibuf [dreg:s8], $0x7FFFF;
	_ =	strace $0x90000049  }
0xba: {  	s29 =	simm.s32 $0x9;
	_ =	strace $0x8000004B  }
0xbb: {  	_ =	swait.ge [sflag:s29], $0x1  }
0xbc: {  	[sflag:s29] =	ssyncadd.s32 $0xFFFFFFFF  }
0xbd: {  	_ =	strace $0x9000004B  }
0xbe: {  	_ =	sfence  }
0xbf: {  	s30 =	sld [smem:$0x0];
	_ =	sdelay $0x2  }
0xc0: {  	s31 =	sshll.u32 s1, $0xD;
	s1 =	sshrl.u32 s1, $0x2  }
0xc1: {  	s3 =	sand.u32 $0x4000, s31;
	s1 =	sadd.s32 s1, s30  }
0xc2: {  	s0 =	sor.u32 s3, s0;
	s1 =	sshll.u32 s1, $0x11  }
0xc3: {  	s0 =	sor.u32 s1, s0  }
0xc4: {  	s0 =	sadd.s32 $0x8F2B, s0  }
0xc5: {  	[sflag:s0] =	ssyncadd.remote.s32 $0x1  }
0xc6: {  	_ =	sfence.sel $0xFFFF  }
0xc7: {  	[dreg:$0x0] =	wrdreg $0xFFFFFFFF;
	(pc) =	sbr.abs _section_cstart, $3  }
0xc8: {  	[dreg:$0x1] =	wrdreg $0xFFFFFFFF  }
0xc9: {  	_ =	task.clear_ibuf [dreg:s8], $0x2FFFF;
	_ =	strace $0x9FFFFFFF  }
0xca: {  	(tm) =	ssettm $0x7FFFFFFF  }
0xcb: {  	_ =	shalt  }
tec
execute0_lowered:
.L_overlay_start_1:
0x0: {  	(tag) =	ssettag $0x1  }
0x1: {  	s0 =	rddreg [dreg:$0x0]  }
0x2: {  	s5 =	rddreg [dreg:$0x1]  }
0x3: {  	s7 =	rddreg [dreg:$0x2]  }
0x4: {  	s1 =	srdreg.scid;
	s3 =	rddreg [dreg:$0x3]  }
0x5: {  	s4 =	simm.s32 $0x0;
	s6 =	sand.u32 $0x1, s1;
	s1 =	stileid.u32  }
0x6: {  	[smem:$0x7FF] =	sst s4;
	s2 =	sshll.u32 s6, $0x4;
	s10 =	smul.u32 $0xA000, s1  }
0x7: {  	s11 =	smul.u32 $0x28000, s6;
	s6 =	ssub.s32 $0x2, s6;
	s31 =	sshll.u32 s1, $0x6  }
0x8: {  	s8 =	sor.u32 s1, s2;
	s2 =	rddreg [dreg:$0x4];
	_ =	strace $0x8000004A  }
0x9: {  	s13 =	sshrl.u32 s6, $0x1;
	s9 =	smul.u32 $0xA28, s8;
	s15 =	sshrl.u32 s10, $0x3  }
0xa: {  	s8 =	smul.u32 $0x514, s8;
	s11 =	sadd.s32 s11, s5;
	s13 =	ssub.s32 s6, s13  }
0xb: {  	s14 =	sadd.s32 s10, s3;
	s10 =	simm.s32 $0x5140;
	s12 =	sadd.s32 s15, s5  }
.Ltmp0:
0xc: {  	s16 =	sadd.s32 $0x2C800, s11;
	s17 =	sadd.s32 $0x40800, s11;
	(pc) =	sbr.rel .LBB2_1-.Ltmp0, $4  }
0xd: {  	s11 =	sor.u32 $0x1C09, s31;
	s9 =	sadd.s32 s9, s5;
	s6 =	sadd.s32 s7, s8  }
0xe: {  	s7 =	sadd.s32 $0x18800, s12;
	s8 =	smax.u32 s13, $0x1;
	s12 =	sshrl.u32 s14, $0x3  }
0xf: {  	s13 =	simm.s32 $0x64;
	s14 =	sadd.s32 s15, s16;
	s15 =	sadd.s32 s15, s17  }
0x10: {  	s16 =	simm.s32 $0x0;
	s5 =	sadd.s32 $0x4200, s9;
	s9 =	simm.s32 $0x9  }
.LBB2_11:
0x11: {  	s16 =	sadd.s32 $0x1, s16  }
0x12: {  	p0 =	sne.s32 s16, s8  }
.Ltmp1:
0x13: {  	[bflag:$0x0] =	sbarrier.arrive $0xFFFF;
	(pc) =	sbr.rel @!p0 .LBB2_12-.Ltmp1, $4  }
0x14: {  	[hbm:s15], [sflag:s11] =	dma.local [spmem:s12], $0x1400  }
0x15: {  	_ =	swait.ge [sflag:s9], $0x1400  }
0x16: {  	[sflag:s9] =	ssyncset.done $0x0  }
0x17: {  	[sflag:s9] =	ssyncadd.s32 $0xFFFFEC00  }
.LBB2_1:
0x18: {  	[tilespmem:s4], [sflag:$0x9] =	stream.linear.gather [hbm4b:s5+s4], $0x5140, $0x38;
	[tilespmem:$0x1E1E0] =	vst v63  }
0x19: {  	_ =	swait.ge [sflag:s9], $0x5140  }
0x1a: {  	[sflag:s9] =	ssyncset.done $0x0  }
0x1b: {  	[sflag:s9] =	ssyncadd.s32 $0xFFFFAEC0  }
0x1c: {  	[tilespmem:s10], [sflag:$0x9] =	stream.linear.gather [hbm4b:s6+s4], $0x28A0, $0x38;
	[tilespmem:$0x1E1E0] =	vst v63  }
0x1d: {  	_ =	swait.ge [sflag:s9], $0x28A0  }
0x1e: {  	[sflag:s9] =	ssyncset.done $0x0  }
0x1f: {  	[sflag:s9] =	ssyncadd.s32 $0xFFFFD760  }
0x20: {  	[spmem:s12], [sflag:s11] =	dma.local [hbm:s7], $0x1400  }
.Ltmp2:
0x21: {  	_ =	swait.ge [sflag:s9], $0x1400;
	(pc) =	sbr.rel .LBB2_2-.Ltmp2, $4  }
0x22: {  	[sflag:s9] =	ssyncset.done $0x0  }
0x23: {  	[sflag:s9] =	ssyncadd.s32 $0xFFFFEC00  }
0x24: {  	[bflag:$0x0] =	sbarrier.arrive $0xFFFF  }
0x25: {  	s17 =	simm.s32 $0x4E00;
	s18 =	simm.s32 $0x0;
	s19 =	simm.s32 $0x0  }
.LBB2_4:
0x26: {  	s21 =	sshrl.u32 s21, $0x2  }
0x27: {  	s21 =	sadd.s32 $0x79E0, s21  }
0x28: {  	[tilespmem:s21], [sflag:s20] =	stream.indirect.gather [hbm4b:s0+s13], $0x40, s18, s13, $0xb8;
	[tilespmem:$0x1E1E0] =	vst v63  }
.LBB2_5:
0x29: {  	s19 =	sadd.s32 $0x1, s19  }
0x2a: {  	p0 =	sne.s32 s19, $0x6C  }
.Ltmp3:
0x2b: {  	_ = 	snop;
	(pc) =	sbr.rel @!p0 .LBB2_6-.Ltmp3, $2  }
0x2c: {  	_ =	sdelay $0x2  }
0x2d: {  	s18 =	sadd.s32 $0x68, s18;
	s17 =	sadd.s32 $0x68, s17  }
.LBB2_2:
0x2e: {  	p0 =	sgt.u32 s19, $0x7  }
.Ltmp4:
0x2f: {  	_ = 	snop;
	(pc) =	sbr.rel @!p0 .LBB2_4-.Ltmp4, $4  }
0x30: {  	_ = 	snop  }
0x31: {  	s22 =	sand.u32 $0x7, s19  }
0x32: {  	s21 =	smul.u32 $0x6400, s22  }
0x33: {  	s20 =	sadd.s32 $0x1, s22  }
0x34: {  	s21 =	smul.u32 $0x6400, s22  }
0x35: {  	_ =	swait.ge [sflag:s20], $0x1900  }
0x36: {  	[sflag:s20] =	ssyncset.done $0x0;
	s22 =	sshrl.u32 s21, $0x2  }
0x37: {  	p0 =	sgt.u32 s19, $0x63;
	[sflag:s20] =	ssyncadd.s32 $0xFFFFE700;
	s22 =	sadd.s32 $0x79E0, s22  }
0x38: {  	[spmem:s3] =	stream.indirect.scatter.add.f32 [tilespmem:s22], [sflag:$0x9], $0x40, s17, s13, $0xb8;
	[tilespmem:$0x1E1E0] =	vst v63  }
.Ltmp5:
0x39: {  	_ = 	snop;
	(pc) =	sbr.rel @p0 .LBB2_5-.Ltmp5, $4  }
.Ltmp6:
0x3a: {  	_ = 	snop;
	(pc) =	sbr.rel @!p0 .LBB2_4-.Ltmp6, $4  }
0x3b: {  	_ =	swait.ge [sflag:s9], $0x1900  }
0x3c: {  	[sflag:s9] =	ssyncset.done $0x0  }
0x3d: {  	[sflag:s9] =	ssyncadd.s32 $0xFFFFE700  }
0x3e: {  	_ = 	snop  }
.LBB2_6:
0x3f: {  	[bflag:$0x0] =	sbarrier.arrive $0xFFFF  }
0x40: {  	[hbm:s14], [sflag:s11] =	dma.local [spmem:s12], $0x1400  }
0x41: {  	_ =	swait.ge [sflag:s9], $0x1400  }
0x42: {  	[sflag:s9] =	ssyncset.done $0x0  }
0x43: {  	[sflag:s9] =	ssyncadd.s32 $0xFFFFEC00  }
0x44: {  	[spmem:s12], [sflag:s11] =	dma.local [hbm:s7], $0x1400  }
.Ltmp7:
0x45: {  	_ =	swait.ge [sflag:s9], $0x1400;
	(pc) =	sbr.rel .LBB2_7-.Ltmp7, $4  }
0x46: {  	[sflag:s9] =	ssyncset.done $0x0  }
0x47: {  	[sflag:s9] =	ssyncadd.s32 $0xFFFFEC00  }
0x48: {  	[bflag:$0x0] =	sbarrier.arrive $0xFFFF  }
0x49: {  	s17 =	simm.s32 $0x0;
	s18 =	simm.s32 $0x28A0;
	s19 =	simm.s32 $0x4E00  }
.LBB2_9:
0x4a: {  	s21 =	sshrl.u32 s21, $0x2  }
0x4b: {  	s21 =	sadd.s32 $0x79E0, s21  }
0x4c: {  	[tilespmem:s21], [sflag:s20] =	stream.indirect.gather [hbm4b:s0+s13], $0x40, s18, s13, $0xb8;
	[tilespmem:$0x1E1E0] =	vst v63  }
.LBB2_10:
0x4d: {  	s17 =	sadd.s32 $0x1, s17  }
0x4e: {  	p0 =	sne.s32 s17, $0x6C  }
.Ltmp8:
0x4f: {  	_ = 	snop;
	(pc) =	sbr.rel @!p0 .LBB2_11-.Ltmp8, $2  }
0x50: {  	_ =	sdelay $0x2  }
0x51: {  	s18 =	sadd.s32 $0x68, s18;
	s19 =	sadd.s32 $0x68, s19  }
.LBB2_7:
0x52: {  	p0 =	sgt.u32 s17, $0x7  }
.Ltmp9:
0x53: {  	_ = 	snop;
	(pc) =	sbr.rel @!p0 .LBB2_9-.Ltmp9, $4  }
0x54: {  	_ = 	snop  }
0x55: {  	s22 =	sand.u32 $0x7, s17  }
0x56: {  	s21 =	smul.u32 $0x6400, s22  }
0x57: {  	s20 =	sadd.s32 $0x1, s22  }
0x58: {  	s21 =	smul.u32 $0x6400, s22  }
0x59: {  	_ =	swait.ge [sflag:s20], $0x1900  }
0x5a: {  	[sflag:s20] =	ssyncset.done $0x0;
	s22 =	sshrl.u32 s21, $0x2  }
0x5b: {  	p0 =	sgt.u32 s17, $0x63;
	[sflag:s20] =	ssyncadd.s32 $0xFFFFE700;
	s22 =	sadd.s32 $0x79E0, s22  }
0x5c: {  	[spmem:s3] =	stream.indirect.scatter.add.f32 [tilespmem:s22], [sflag:$0x9], $0x40, s19, s13, $0xb8;
	[tilespmem:$0x1E1E0] =	vst v63  }
.Ltmp10:
0x5d: {  	_ = 	snop;
	(pc) =	sbr.rel @p0 .LBB2_10-.Ltmp10, $4  }
.Ltmp11:
0x5e: {  	_ = 	snop;
	(pc) =	sbr.rel @!p0 .LBB2_9-.Ltmp11, $4  }
0x5f: {  	_ =	swait.ge [sflag:s9], $0x1900  }
0x60: {  	[sflag:s9] =	ssyncset.done $0x0  }
0x61: {  	[sflag:s9] =	ssyncadd.s32 $0xFFFFE700  }
0x62: {  	_ = 	snop  }
.LBB2_12:
0x63: {  	_ =	sfence.sel $0x180000  }
0x64: {  	[bflag:$0x0] =	sbarrier.arrive $0xFFFF  }
0x65: {  	p0 =	sne.s32 s1, $0x0;
	_ =	strace $0x9000004A  }
0x66: {  	s0 =	sadd.s32 @!p0 $0x100000, s2;
	[bflag:$0x2] =	sbarrier.arrive $0xFFFF  }
0x67: {  	[sflag:s0] =	ssyncadd.tile.s32 @!p0 $0x1;
	_ =	shalt  }
.Lfunc_end2:
_tile_overlayer_lowered:
.L_overlay_start_2:
0x68: {  	(tag) =	ssettag $0x2  }
0x69: {  	s0 =	rddreg [dreg:$0x0];
	s2 =	stileid.u32  }
0x6a: {  	s1 =	rddreg [dreg:$0x1];
	p0 =	sne.s32 s2, $0x0  }
0x6b: {  	s3 =	rddreg [dreg:$0x2];
	[bflag:$0x3] =	sbarrier.arrive $0xFFFF;
	s2 =	simm.s32 @!p0 $0x1C09  }
0x6c: {  	[timem:s3], [sflag:s2] =	dma.local @!p0 [hbm:s0], s1  }
0x6d: {  	s0 =	simm.s32 @!p0 $0x9  }
0x6e: {  	_ =	swait.ge @!p0 [sflag:s0], s1  }
0x6f: {  	s1 =	ssub.s32 @!p0 $0x0, s1;
	[sflag:s0] =	ssyncset.done @!p0 $0x0  }
0x70: {  	[sflag:s0] =	ssyncadd.s32 @!p0 s1  }
0x71: {  	[bflag:$0x3] =	sbarrier.arrive $0xFFFF  }
0x72: {  	_ =	shalt  }

// kernel: kernel.18.cloned.1.call-start
scs
__scs_entry_jumppad:
0x0: {  	(pc) =	sbr.rel $0x88, $3  }
0x1: {  	(tag) =	ssettag $0x0;
	lr =	simm.s32 $0x1  }
0x2: {  	[smem:$0x3F97] =	sst lr;
	_ =	strace $0xD0000000  }
0x3: {  	_ = 	snop  }
0x4: {  	_ = 	snop  }
0x5: {  	_ = 	snop  }
0x6: {  	_ = 	snop  }
0x7: {  	_ = 	snop  }
__scs_overlays_trampoline_lowered:
0x8: {  	[smem:$0x3FA6] =	sst s0  }
0x9: {  	[smem:$0x3FA7] =	sst s1  }
0xa: {  	[smem:$0x3FA8] =	sst s2  }
0xb: {  	[smem:$0x3FA9] =	sst s3  }
0xc: {  	[smem:$0x3FAA] =	sst s4  }
0xd: {  	[smem:$0x3FAB] =	sst s5  }
0xe: {  	[smem:$0x3FAC] =	sst s6  }
0xf: {  	[smem:$0x3FAD] =	sst s7  }
0x10: {  	[smem:$0x3FAE] =	sst s8  }
0x11: {  	[smem:$0x3FAF] =	sst s9;
	s0 =	simm.s32 @!p0 $0x0  }
0x12: {  	s1 =	sld [smem:$0x3F95];
	s0 =	simm.s32 @p0 $0x1  }
0x13: {  	[smem:$0x3FB0] =	sst s0;
	s0 =	simm.s32 @!p1 $0x0  }
0x14: {  	s2 =	sld [smem:$0x3F94];
	s0 =	simm.s32 @p1 $0x1  }
0x15: {  	[smem:$0x3FB1] =	sst s0;
	s0 =	simm.s32 @!p2 $0x0  }
0x16: {  	s3 =	sld [smem:$0x3FDB];
	s0 =	simm.s32 @p2 $0x1  }
0x17: {  	s4 =	simm.s32 $0x1BF5;
	[smem:$0x3FB3] =	sst s0  }
0x18: {  	s0 =	sld [smem:$0x3F96];
	_ =	swait.ge [sflag:s4], $0x0  }
0x19: {  	s7 =	sld [smem:$0x3F97]  }
0x1a: {  	s8 =	sadd.s32 $0xFFFFE003, lr  }
0x1b: {  	s9 =	sadd.s32 $0xFFFFFEF7, lr;
	s5 =	simm.s32 $0xFFFFFFFF;
	p2 =	slt.u32 s8, $0xFFFFF086  }
0x1c: {  	p1 =	slt.u32 s9, $0xF7A;
	s5 =	simm.s32 @!p2 $0x0  }
0x1d: {  	s5 =	simm.s32 @p1 $0x1;
	p0 =	seq.s32 s7, s2  }
0x1e: {  	s7 =	smul.u32 @!p0 $0xF7A, s2;
	p2 =	seq.s32 @!p0 s5, $0x0  }
0x1f: {  	s9 =	smul.u32 $0xF7A, s1;
	s8 =	simm.s32 @!p0 $0x1BF5;
	p2 =	por !p2, p0  }
0x20: {  	[sflag:s8] =	ssyncset.s32 @!p0 $0xFFFFF086;
	s6 =	sadd.s32 @!p0 s3, s7;
	s7 =	simm.s32 @!p0 $0x108  }
0x21: {  	s3 =	sadd.s32 s3, s9;
	s6 =	sadd.s32 @!p0 $0x88, s6;
	s7 =	simm.s32 @p2 $0x1082  }
0x22: {  	[simem:s7], [sflag:s8] =	dma.local @!p0 [hbm:s6], $0xF7A  }
0x23: {  	s9 =	sor.u32 $0xD0000000, s2;
	s6 =	simm.s32 $0x108;
	_ =	swait.ge @!p0 [sflag:s8], $0x0  }
0x24: {  	s3 =	sadd.s32 $0x88, s3;
	s6 =	simm.s32 @!p1 $0x1082;
	[sflag:s4] =	ssyncset.s32 $0xFFFFF086  }
0x25: {  	[simem:s6], [sflag:s4] =	dma.local [hbm:s3], $0xF7A  }
0x26: {  	[smem:$0x3F97] =	sst s1;
	(tag) =	ssettag s2;
	_ =	strace s9  }
0x27: {  	s1 =	sld [smem:$0x3FA7]  }
0x28: {  	s2 =	sld [smem:$0x3FA8]  }
0x29: {  	s4 =	sld [smem:$0x3FAA]  }
0x2a: {  	p0 =	seq.s32 s5, $0x0;
	s5 =	sld [smem:$0x3FAB]  }
0x2b: {  	s6 =	sld [smem:$0x3FAC]  }
0x2c: {  	s7 =	sld [smem:$0x3FAD]  }
0x2d: {  	s3 =	simm.s32 $0x108;
	s8 =	sld [smem:$0x3FAE]  }
0x2e: {  	s3 =	simm.s32 @!p0 $0x1082;
	s9 =	sld [smem:$0x3FAF]  }
0x2f: {  	lr =	sadd.s32 s0, s3;
	s0 =	sld [smem:$0x3FA6]  }
0x30: {  	s3 =	sld [smem:$0x3FA9]  }
0x31: {  	[smem:$0x3FB2] =	sst s10  }
0x32: {  	s10 =	sld [smem:$0x3FB0];
	_ =	sdelay $0x3  }
0x33: {  	p0 =	seq.s32 s10, $0x1;
	s10 =	sld [smem:$0x3FB2];
	_ =	sdelay $0x3  }
0x34: {  	[smem:$0x3FB2] =	sst s10  }
0x35: {  	s10 =	sld [smem:$0x3FB1];
	_ =	sdelay $0x3  }
0x36: {  	p1 =	seq.s32 s10, $0x1;
	s10 =	sld [smem:$0x3FB2];
	_ =	sdelay $0x3  }
0x37: {  	[smem:$0x3FB2] =	sst s10  }
0x38: {  	s10 =	sld [smem:$0x3FB3]  }
0x39: {  	_ = 	snop;
	(pc) =	sbr.ind lr, $3  }
0x3a: {  	_ = 	snop  }
0x3b: {  	_ = 	snop  }
0x3c: {  	p2 =	seq.s32 s10, $0x1;
	s10 =	sld [smem:$0x3FB2]  }
0x3d: {  	_ =	shalt  }
0x3e: {  	_ =	shalt  }
0x3f: {  	_ =	shalt  }
0x40: {  	_ =	shalt  }
0x41: {  	_ =	shalt  }
0x42: {  	_ =	shalt  }
0x43: {  	_ =	shalt  }
0x44: {  	_ =	shalt  }
0x45: {  	_ =	shalt  }
0x46: {  	_ =	shalt  }
0x47: {  	_ =	shalt  }
0x48: {  	_ =	shalt  }
0x49: {  	_ =	shalt  }
0x4a: {  	_ =	shalt  }
0x4b: {  	_ =	shalt  }
0x4c: {  	_ =	shalt  }
0x4d: {  	_ =	shalt  }
0x4e: {  	_ =	shalt  }
0x4f: {  	_ =	shalt  }
0x50: {  	_ =	shalt  }
0x51: {  	_ =	shalt  }
0x52: {  	_ =	shalt  }
0x53: {  	_ =	shalt  }
0x54: {  	_ =	shalt  }
0x55: {  	_ =	shalt  }
0x56: {  	_ =	shalt  }
0x57: {  	_ =	shalt  }
0x58: {  	_ =	shalt  }
0x59: {  	_ =	shalt  }
0x5a: {  	_ =	shalt  }
0x5b: {  	_ =	shalt  }
0x5c: {  	_ =	shalt  }
0x5d: {  	_ =	shalt  }
0x5e: {  	_ =	shalt  }
0x5f: {  	_ =	shalt  }
0x60: {  	_ =	shalt  }
0x61: {  	_ =	shalt  }
0x62: {  	_ =	shalt  }
0x63: {  	_ =	shalt  }
0x64: {  	_ =	shalt  }
0x65: {  	_ =	shalt  }
0x66: {  	_ =	shalt  }
0x67: {  	_ =	shalt  }
0x68: {  	_ =	shalt  }
0x69: {  	_ =	shalt  }
0x6a: {  	_ =	shalt  }
0x6b: {  	_ =	shalt  }
0x6c: {  	_ =	shalt  }
0x6d: {  	_ =	shalt  }
0x6e: {  	_ =	shalt  }
0x6f: {  	_ =	shalt  }
0x70: {  	_ =	shalt  }
0x71: {  	_ =	shalt  }
0x72: {  	_ =	shalt  }
0x73: {  	_ =	shalt  }
0x74: {  	_ =	shalt  }
0x75: {  	_ =	shalt  }
0x76: {  	_ =	shalt  }
0x77: {  	_ =	shalt  }
0x78: {  	_ =	shalt  }
0x79: {  	_ =	shalt  }
0x7a: {  	_ =	shalt  }
0x7b: {  	_ =	shalt  }
0x7c: {  	_ =	shalt  }
0x7d: {  	_ =	shalt  }
0x7e: {  	_ =	shalt  }
0x7f: {  	_ =	shalt  }
0x80: {  	_ =	shalt  }
0x81: {  	_ =	shalt  }
0x82: {  	_ =	shalt  }
0x83: {  	_ =	shalt  }
0x84: {  	_ =	shalt  }
0x85: {  	_ =	shalt  }
0x86: {  	_ =	shalt  }
0x87: {  	_ =	shalt  }
.Lfunc_end0:
.L_simem_size_0:
called_computation.2_lowered:
.L_overlay_start_0:
0x88: {  	s2 =	sld [smem:$0x3FD9]  }
0x89: {  	s3 =	sld [smem:$0x3FFE];
	_ =	sdelay $0x1  }
0x8a: {  	s1 =	srdreg.scid  }
0x8b: {  	s0 =	sand.u32 $0x1, s1  }
0x8c: {  	s14 =	sshll.u32 s0, $0xA;
	s2 =	sadd.s32 s3, s2  }
0x8d: {  	s2 =	sadd.s32 s2, s14  }
0x8e: {  	[smem:$0x3FBE] =	sst s2  }
0x8f: {  	_ = 	snop  }
0x90: {  	s2 =	sld [smem:$0x3FD0];
	_ =	sdelay $0x2  }
0x91: {  	s15 =	simm.s32 $0xA;
	s4 =	simm.s32 $0x10  }
0x92: {  	[smem:s4], [sflag:s15] =	dma.local [hbm:s2], $0x1  }
0x93: {  	_ =	swait.eq [sflag:s15], $0x1  }
0x94: {  	[sflag:s15] =	ssyncset.done $0x0  }
0x95: {  	s16 =	sld [smem:$0x10];
	[sflag:s15] =	ssyncadd.s32 $0xFFFFFFFF  }
0x96: {  	s17 =	sld [smem:$0x12];
	(tm) =	ssettm $0x1  }
0x97: {  	s18 =	sld [smem:$0x3FFB];
	_ =	sdelay $0x3  }
0x98: {  	_ =	strace s18  }
0x99: {  	s4 =	sld [smem:$0x3FFC];
	_ =	sdelay $0x3  }
0x9a: {  	_ =	strace s4  }
0x9b: {  	s4 =	sld [smem:$0x3FFD];
	_ =	sdelay $0x3  }
0x9c: {  	_ =	strace s4  }
0x9d: {  	_ =	strace $0x8FFFFFFF  }
0x9e: {  	s19 =	sld [smem:$0x3FDB];
	_ =	sdelay $0x1  }
0x9f: {  	s5 =	simm.s32 $_scs_section_size  }
0xa0: {  	s6 =	simm.s32 $_size__tile_overlayer_lowered;
	s7 =	simm.s32 $_tile_overlayer_lowered  }
0xa1: {  	s22 =	simm.s32 $0x1BFF;
	s21 =	sshll.u32 s7, $0x1;
	s4 =	sadd.s32 s5, s19  }
0xa2: {  	s8 =	simm.s32 $0x0;
	s20 =	sshll.u32 s6, $0x1;
	s6 =	sadd.s32 s21, s4  }
0xa3: {  	[timem:s8], [sflag:s22] =	dma.local [hbm:s6], s20  }
0xa4: {  	_ =	swait.ge [sflag:s22], s20  }
0xa5: {  	s5 =	ssub.s32 $0x0, s20;
	[sflag:s22] =	ssyncset.done $0x0  }
0xa6: {  	[sflag:s22] =	ssyncadd.s32 s5;
	_ =	sdelay $0x1  }
0xa7: {  	s23 =	simm.s32 $0x1B8B  }
0xa8: {  	_ =	swait.ge [sflag:s23], $0x1  }
0xa9: {  	[sflag:s23] =	ssyncset.done $0x0  }
0xaa: {  	s25 =	simm.s32 $0x1B8E;
	s24 =	sld [smem:$0x3FFE];
	[sflag:s23] =	ssyncadd.s32 $0xFFFFFFFF  }
0xab: {  	s26 =	simm.s32 $execute0_lowered;
	[smem:$0x3FD2] =	sst s25  }
0xac: {  	s6 =	sshll.u32 s26, $0x1;
	_ =	strace $0x8000004C;
	[dreg:$0x1] =	wrdreg $0xFFFFFFFF  }
0xad: {  	s28 =	simm.s32 $_size_execute0_lowered;
	s4 =	sadd.s32 s4, s6;
	[dreg:$0x0] =	wrdreg $0x0  }
0xae: {  	s6 =	sshll.u32 s28, $0x1;
	[dreg:$0x2] =	wrdreg s4  }
0xaf: {  	[dreg:$0x3] =	wrdreg s6  }
0xb0: {  	[dreg:$0x4] =	wrdreg $0xC0  }
0xb1: {  	_ =	task [dreg:s8], $0x5FFFF  }
0xb2: {  	[dreg:$0x1] =	wrdreg $0xFFFFFFFF  }
0xb3: {  	[dreg:$0x0] =	wrdreg $0x60  }
0xb4: {  	[dreg:$0x2] =	wrdreg s16  }
0xb5: {  	[dreg:$0x3] =	wrdreg s24  }
0xb6: {  	[dreg:$0x4] =	wrdreg s17  }
0xb7: {  	[dreg:$0x5] =	wrdreg $0x141E00  }
0xb8: {  	[dreg:$0x6] =	wrdreg $0x9  }
0xb9: {  	_ =	task.clear_ibuf [dreg:s8], $0x7FFFF;
	_ =	strace $0x9000004C  }
0xba: {  	s29 =	simm.s32 $0x9;
	_ =	strace $0x8000004E  }
0xbb: {  	_ =	swait.ge [sflag:s29], $0x1  }
0xbc: {  	[sflag:s29] =	ssyncadd.s32 $0xFFFFFFFF  }
0xbd: {  	_ =	strace $0x9000004E  }
0xbe: {  	_ =	sfence  }
0xbf: {  	s30 =	sld [smem:$0x0];
	_ =	sdelay $0x2  }
0xc0: {  	s31 =	sshll.u32 s1, $0xD;
	s1 =	sshrl.u32 s1, $0x2  }
0xc1: {  	s3 =	sand.u32 $0x4000, s31;
	s1 =	sadd.s32 s1, s30  }
0xc2: {  	s0 =	sor.u32 s3, s0;
	s1 =	sshll.u32 s1, $0x11  }
0xc3: {  	s0 =	sor.u32 s1, s0  }
0xc4: {  	s0 =	sadd.s32 $0x8F2B, s0  }
0xc5: {  	[sflag:s0] =	ssyncadd.remote.s32 $0x1  }
0xc6: {  	_ =	sfence.sel $0xFFFF  }
0xc7: {  	[dreg:$0x0] =	wrdreg $0xFFFFFFFF;
	(pc) =	sbr.abs _section_cstart, $3  }
0xc8: {  	[dreg:$0x1] =	wrdreg $0xFFFFFFFF  }
0xc9: {  	_ =	task.clear_ibuf [dreg:s8], $0x2FFFF;
	_ =	strace $0x9FFFFFFF  }
0xca: {  	(tm) =	ssettm $0x7FFFFFFF  }
0xcb: {  	_ =	shalt  }
tec
execute0_lowered:
.L_overlay_start_1:
0x0: {  	(tag) =	ssettag $0x1  }
0x1: {  	s0 =	rddreg [dreg:$0x0]  }
0x2: {  	s5 =	rddreg [dreg:$0x1]  }
0x3: {  	s7 =	rddreg [dreg:$0x2]  }
0x4: {  	s1 =	srdreg.scid;
	s3 =	rddreg [dreg:$0x3]  }
0x5: {  	s4 =	simm.s32 $0x0;
	s6 =	sand.u32 $0x1, s1;
	s1 =	stileid.u32  }
0x6: {  	[smem:$0x7FF] =	sst s4;
	s2 =	sshll.u32 s6, $0x4;
	s10 =	smul.u32 $0xA000, s1  }
0x7: {  	s11 =	smul.u32 $0x28000, s6;
	s6 =	ssub.s32 $0x2, s6;
	s31 =	sshll.u32 s1, $0x6  }
0x8: {  	s8 =	sor.u32 s1, s2;
	s2 =	rddreg [dreg:$0x4];
	_ =	strace $0x8000004D  }
0x9: {  	s13 =	sshrl.u32 s6, $0x1;
	s9 =	smul.u32 $0xA28, s8;
	s15 =	sshrl.u32 s10, $0x3  }
0xa: {  	s8 =	smul.u32 $0x514, s8;
	s11 =	sadd.s32 s11, s5;
	s13 =	ssub.s32 s6, s13  }
0xb: {  	s14 =	sadd.s32 s10, s3;
	s10 =	simm.s32 $0x5140;
	s12 =	sadd.s32 s15, s5  }
.Ltmp0:
0xc: {  	s16 =	sadd.s32 $0x2C800, s11;
	s17 =	sadd.s32 $0x40800, s11;
	(pc) =	sbr.rel .LBB2_1-.Ltmp0, $4  }
0xd: {  	s11 =	sor.u32 $0x1C09, s31;
	s9 =	sadd.s32 s9, s5;
	s6 =	sadd.s32 s7, s8  }
0xe: {  	s7 =	sadd.s32 $0x18800, s12;
	s8 =	smax.u32 s13, $0x1;
	s12 =	sshrl.u32 s14, $0x3  }
0xf: {  	s13 =	simm.s32 $0x64;
	s14 =	sadd.s32 s15, s16;
	s15 =	sadd.s32 s15, s17  }
0x10: {  	s16 =	simm.s32 $0x0;
	s5 =	sadd.s32 $0x4200, s9;
	s9 =	simm.s32 $0x9  }
.LBB2_11:
0x11: {  	s16 =	sadd.s32 $0x1, s16  }
0x12: {  	p0 =	sne.s32 s16, s8  }
.Ltmp1:
0x13: {  	[bflag:$0x0] =	sbarrier.arrive $0xFFFF;
	(pc) =	sbr.rel @!p0 .LBB2_12-.Ltmp1, $4  }
0x14: {  	[hbm:s15], [sflag:s11] =	dma.local [spmem:s12], $0x1400  }
0x15: {  	_ =	swait.ge [sflag:s9], $0x1400  }
0x16: {  	[sflag:s9] =	ssyncset.done $0x0  }
0x17: {  	[sflag:s9] =	ssyncadd.s32 $0xFFFFEC00  }
.LBB2_1:
0x18: {  	[tilespmem:s4], [sflag:$0x9] =	stream.linear.gather [hbm4b:s5+s4], $0x5140, $0x38;
	[tilespmem:$0x1E1E0] =	vst v63  }
0x19: {  	_ =	swait.ge [sflag:s9], $0x5140  }
0x1a: {  	[sflag:s9] =	ssyncset.done $0x0  }
0x1b: {  	[sflag:s9] =	ssyncadd.s32 $0xFFFFAEC0  }
0x1c: {  	[tilespmem:s10], [sflag:$0x9] =	stream.linear.gather [hbm4b:s6+s4], $0x28A0, $0x38;
	[tilespmem:$0x1E1E0] =	vst v63  }
0x1d: {  	_ =	swait.ge [sflag:s9], $0x28A0  }
0x1e: {  	[sflag:s9] =	ssyncset.done $0x0  }
0x1f: {  	[sflag:s9] =	ssyncadd.s32 $0xFFFFD760  }
0x20: {  	[spmem:s12], [sflag:s11] =	dma.local [hbm:s7], $0x1400  }
.Ltmp2:
0x21: {  	_ =	swait.ge [sflag:s9], $0x1400;
	(pc) =	sbr.rel .LBB2_2-.Ltmp2, $4  }
0x22: {  	[sflag:s9] =	ssyncset.done $0x0  }
0x23: {  	[sflag:s9] =	ssyncadd.s32 $0xFFFFEC00  }
0x24: {  	[bflag:$0x0] =	sbarrier.arrive $0xFFFF  }
0x25: {  	s17 =	simm.s32 $0x4E00;
	s18 =	simm.s32 $0x0;
	s19 =	simm.s32 $0x0  }
.LBB2_4:
0x26: {  	s21 =	sshrl.u32 s21, $0x2  }
0x27: {  	s21 =	sadd.s32 $0x79E0, s21  }
0x28: {  	[tilespmem:s21], [sflag:s20] =	stream.indirect.gather [hbm4b:s0+s13], $0x40, s18, s13, $0xb8;
	[tilespmem:$0x1E1E0] =	vst v63  }
.LBB2_5:
0x29: {  	s19 =	sadd.s32 $0x1, s19  }
0x2a: {  	p0 =	sne.s32 s19, $0x6C  }
.Ltmp3:
0x2b: {  	_ = 	snop;
	(pc) =	sbr.rel @!p0 .LBB2_6-.Ltmp3, $2  }
0x2c: {  	_ =	sdelay $0x2  }
0x2d: {  	s18 =	sadd.s32 $0x68, s18;
	s17 =	sadd.s32 $0x68, s17  }
.LBB2_2:
0x2e: {  	p0 =	sgt.u32 s19, $0x7  }
.Ltmp4:
0x2f: {  	_ = 	snop;
	(pc) =	sbr.rel @!p0 .LBB2_4-.Ltmp4, $4  }
0x30: {  	_ = 	snop  }
0x31: {  	s22 =	sand.u32 $0x7, s19  }
0x32: {  	s21 =	smul.u32 $0x6400, s22  }
0x33: {  	s20 =	sadd.s32 $0x1, s22  }
0x34: {  	s21 =	smul.u32 $0x6400, s22  }
0x35: {  	_ =	swait.ge [sflag:s20], $0x1900  }
0x36: {  	[sflag:s20] =	ssyncset.done $0x0;
	s22 =	sshrl.u32 s21, $0x2  }
0x37: {  	p0 =	sgt.u32 s19, $0x63;
	[sflag:s20] =	ssyncadd.s32 $0xFFFFE700;
	s22 =	sadd.s32 $0x79E0, s22  }
0x38: {  	[spmem:s3] =	stream.indirect.scatter.add.f32 [tilespmem:s22], [sflag:$0x9], $0x40, s17, s13, $0xb8;
	[tilespmem:$0x1E1E0] =	vst v63  }
.Ltmp5:
0x39: {  	_ = 	snop;
	(pc) =	sbr.rel @p0 .LBB2_5-.Ltmp5, $4  }
.Ltmp6:
0x3a: {  	_ = 	snop;
	(pc) =	sbr.rel @!p0 .LBB2_4-.Ltmp6, $4  }
0x3b: {  	_ =	swait.ge [sflag:s9], $0x1900  }
0x3c: {  	[sflag:s9] =	ssyncset.done $0x0  }
0x3d: {  	[sflag:s9] =	ssyncadd.s32 $0xFFFFE700  }
0x3e: {  	_ = 	snop  }
.LBB2_6:
0x3f: {  	[bflag:$0x0] =	sbarrier.arrive $0xFFFF  }
0x40: {  	[hbm:s14], [sflag:s11] =	dma.local [spmem:s12], $0x1400  }
0x41: {  	_ =	swait.ge [sflag:s9], $0x1400  }
0x42: {  	[sflag:s9] =	ssyncset.done $0x0  }
0x43: {  	[sflag:s9] =	ssyncadd.s32 $0xFFFFEC00  }
0x44: {  	[spmem:s12], [sflag:s11] =	dma.local [hbm:s7], $0x1400  }
.Ltmp7:
0x45: {  	_ =	swait.ge [sflag:s9], $0x1400;
	(pc) =	sbr.rel .LBB2_7-.Ltmp7, $4  }
0x46: {  	[sflag:s9] =	ssyncset.done $0x0  }
0x47: {  	[sflag:s9] =	ssyncadd.s32 $0xFFFFEC00  }
0x48: {  	[bflag:$0x0] =	sbarrier.arrive $0xFFFF  }
0x49: {  	s17 =	simm.s32 $0x0;
	s18 =	simm.s32 $0x28A0;
	s19 =	simm.s32 $0x4E00  }
.LBB2_9:
0x4a: {  	s21 =	sshrl.u32 s21, $0x2  }
0x4b: {  	s21 =	sadd.s32 $0x79E0, s21  }
0x4c: {  	[tilespmem:s21], [sflag:s20] =	stream.indirect.gather [hbm4b:s0+s13], $0x40, s18, s13, $0xb8;
	[tilespmem:$0x1E1E0] =	vst v63  }
.LBB2_10:
0x4d: {  	s17 =	sadd.s32 $0x1, s17  }
0x4e: {  	p0 =	sne.s32 s17, $0x6C  }
.Ltmp8:
0x4f: {  	_ = 	snop;
	(pc) =	sbr.rel @!p0 .LBB2_11-.Ltmp8, $2  }
0x50: {  	_ =	sdelay $0x2  }
0x51: {  	s18 =	sadd.s32 $0x68, s18;
	s19 =	sadd.s32 $0x68, s19  }
.LBB2_7:
0x52: {  	p0 =	sgt.u32 s17, $0x7  }
.Ltmp9:
0x53: {  	_ = 	snop;
	(pc) =	sbr.rel @!p0 .LBB2_9-.Ltmp9, $4  }
0x54: {  	_ = 	snop  }
0x55: {  	s22 =	sand.u32 $0x7, s17  }
0x56: {  	s21 =	smul.u32 $0x6400, s22  }
0x57: {  	s20 =	sadd.s32 $0x1, s22  }
0x58: {  	s21 =	smul.u32 $0x6400, s22  }
0x59: {  	_ =	swait.ge [sflag:s20], $0x1900  }
0x5a: {  	[sflag:s20] =	ssyncset.done $0x0;
	s22 =	sshrl.u32 s21, $0x2  }
0x5b: {  	p0 =	sgt.u32 s17, $0x63;
	[sflag:s20] =	ssyncadd.s32 $0xFFFFE700;
	s22 =	sadd.s32 $0x79E0, s22  }
0x5c: {  	[spmem:s3] =	stream.indirect.scatter.add.f32 [tilespmem:s22], [sflag:$0x9], $0x40, s19, s13, $0xb8;
	[tilespmem:$0x1E1E0] =	vst v63  }
.Ltmp10:
0x5d: {  	_ = 	snop;
	(pc) =	sbr.rel @p0 .LBB2_10-.Ltmp10, $4  }
.Ltmp11:
0x5e: {  	_ = 	snop;
	(pc) =	sbr.rel @!p0 .LBB2_9-.Ltmp11, $4  }
0x5f: {  	_ =	swait.ge [sflag:s9], $0x1900  }
0x60: {  	[sflag:s9] =	ssyncset.done $0x0  }
0x61: {  	[sflag:s9] =	ssyncadd.s32 $0xFFFFE700  }
0x62: {  	_ = 	snop  }
.LBB2_12:
0x63: {  	_ =	sfence.sel $0x180000  }
0x64: {  	[bflag:$0x0] =	sbarrier.arrive $0xFFFF  }
0x65: {  	p0 =	sne.s32 s1, $0x0;
	_ =	strace $0x9000004D  }
0x66: {  	s0 =	sadd.s32 @!p0 $0x100000, s2;
	[bflag:$0x2] =	sbarrier.arrive $0xFFFF  }
0x67: {  	[sflag:s0] =	ssyncadd.tile.s32 @!p0 $0x1;
	_ =	shalt  }
.Lfunc_end2:
_tile_overlayer_lowered:
.L_overlay_start_2:
0x68: {  	(tag) =	ssettag $0x2  }
0x69: {  	s0 =	rddreg [dreg:$0x0];
	s2 =	stileid.u32  }
0x6a: {  	s1 =	rddreg [dreg:$0x1];
	p0 =	sne.s32 s2, $0x0  }
0x6b: {  	s3 =	rddreg [dreg:$0x2];
	[bflag:$0x3] =	sbarrier.arrive $0xFFFF;
	s2 =	simm.s32 @!p0 $0x1C09  }
0x6c: {  	[timem:s3], [sflag:s2] =	dma.local @!p0 [hbm:s0], s1  }
0x6d: {  	s0 =	simm.s32 @!p0 $0x9  }
0x6e: {  	_ =	swait.ge @!p0 [sflag:s0], s1  }
0x6f: {  	s1 =	ssub.s32 @!p0 $0x0, s1;
	[sflag:s0] =	ssyncset.done @!p0 $0x0  }
0x70: {  	[sflag:s0] =	ssyncadd.s32 @!p0 s1  }
0x71: {  	[bflag:$0x3] =	sbarrier.arrive $0xFFFF  }
0x72: {  	_ =	shalt  }

</sc_bundles>
